<compile_context>
chip_gen: v7x
topology: tpu7x:2x2x1
jax: 0.10.2.dev20260603
libtpu: 0.0.44.dev20260713+nightly
codegen_flags: <defaults>
</compile_context>

<pallas_src>
import functools

import jax
import jax.numpy as jnp
from jax import lax
from jax.experimental import pallas as pl
from jax.experimental.pallas import tpu as pltpu
from jax.experimental.pallas import tpu_sc as plsc

B = 16384
N_CONT = 13
N_CAT = 26
VOCAB = 100000
D = 32
N_TGT = 2

NC, NS = 2, 16
NW = NC * NS
ROWS = N_CAT * D
ROWS_PER_W = ROWS // NW
CONT_ROWS = N_CONT * D
CTX_ROWS = CONT_ROWS + ROWS
RQ = B // 4
NRB = 3


def _sc_gather_t(tabT, xcT_flat):
    mesh = plsc.VectorSubcoreMesh(core_axis_name="c", subcore_axis_name="s")

    @functools.partial(
        pl.kernel,
        mesh=mesh,
        compiler_params=pltpu.CompilerParams(
            use_tc_tiling_on_sc=True, needs_layout_passes=False),
        out_type=jax.ShapeDtypeStruct((CTX_ROWS, B), jnp.float32),
        scratch_types=[
            pltpu.VMEM((1, VOCAB), jnp.float32),
            pltpu.VMEM((B,), jnp.int32),
            pltpu.VMEM((NRB, 1, RQ), jnp.float32),
            pltpu.SemaphoreType.DMA((NRB,)),
        ],
    )
    def k(tab_hbm, xc_hbm, out_hbm, seg_v, idx_v, row_b, sem_w):
        wid = lax.axis_index("s") * NC + lax.axis_index("c")
        zeros16 = jnp.zeros((16,), jnp.int32)

        for r in range(NRB):
            pltpu.async_copy(
                tab_hbm.at[pl.ds(0, 1), pl.ds(0, RQ)],
                row_b.at[r], sem_w.at[r])

        def pair_body(p, prev_f):
            fd = wid * ROWS_PER_W + p
            f = fd // D

            @pl.when(f != prev_f)
            def _load_idx():
                pltpu.sync_copy(xc_hbm.at[pl.ds(f * B, B)], idx_v)

            pltpu.sync_copy(tab_hbm.at[pl.ds(fd, 1), :], seg_v)

            for q in range(4):
                r = q % NRB
                pltpu.make_async_copy(
                    tab_hbm.at[pl.ds(0, 1), pl.ds(0, RQ)],
                    row_b.at[r], sem_w.at[r]).wait()

                def vec_body(j, c2):
                    idx16 = idx_v[pl.ds((q * (RQ // 16) + j) * 16, 16)]
                    vals = plsc.load_gather(seg_v, [zeros16, idx16])
                    row_b.at[r][0, pl.ds(j * 16, 16)] = vals
                    return c2

                lax.fori_loop(0, RQ // 16, vec_body, 0, unroll=8)
                pltpu.async_copy(
                    row_b.at[r],
                    out_hbm.at[pl.ds(CONT_ROWS + fd, 1),
                               pl.ds(q * RQ, RQ)],
                    sem_w.at[r])
            return f

        lax.fori_loop(0, ROWS_PER_W, pair_body, -1, unroll=False)

        for r in range(NRB):
            pltpu.make_async_copy(
                tab_hbm.at[pl.ds(0, 1), pl.ds(0, RQ)],
                row_b.at[r], sem_w.at[r]).wait()

    return k(tabT, xcT_flat)


BC = 4096


def _tc_body(x_ref, wt_ref, bt_ref, tgtT_ref, ctx_in_ref, ctx_ref, cls_ref):
    del ctx_in_ref
    for i in range(N_CONT):
        ctx_ref[pl.ds(i * D, D), :] = (
            wt_ref[:, i:i + 1] * x_ref[i:i + 1, :] + bt_ref[:, i:i + 1])
    for t in range(N_TGT):
        cls_ref[pl.ds(t * D, D), :] = jnp.broadcast_to(
            tgtT_ref[:, t:t + 1], (D, BC))


def _tc_assemble(x_contT, WT, bT, tgtT, ctx_partial):
    grid = (B // BC,)
    ctxT, clsT = pl.pallas_call(
        _tc_body,
        grid=grid,
        in_specs=[
            pl.BlockSpec((N_CONT, BC), lambda i: (0, i)),
            pl.BlockSpec((D, N_CONT), lambda i: (0, 0)),
            pl.BlockSpec((D, N_CONT), lambda i: (0, 0)),
            pl.BlockSpec((D, N_TGT), lambda i: (0, 0)),
            pl.BlockSpec((8, 128), lambda i: (0, 0)),
        ],
        out_specs=[
            pl.BlockSpec((CONT_ROWS, BC), lambda i: (0, i)),
            pl.BlockSpec((N_TGT * D, BC), lambda i: (0, i)),
        ],
        out_shape=[
            jax.ShapeDtypeStruct((CTX_ROWS, B), jnp.float32),
            jax.ShapeDtypeStruct((N_TGT * D, B), jnp.float32),
        ],
        input_output_aliases={4: 0},
    )(x_contT, WT, bT, tgtT, ctx_partial)
    return ctxT, clsT


def kernel(x_cat, x_cont, lin_W, lin_b, cat_tables, tgt):
    tabT = jnp.transpose(cat_tables, (0, 2, 1)).reshape(ROWS, VOCAB)
    xcT_flat = jnp.transpose(x_cat, (1, 0)).reshape(N_CAT * B)
    x_contT = jnp.transpose(x_cont, (1, 0))
    WT = jnp.transpose(lin_W, (1, 0))
    bT = jnp.transpose(lin_b, (1, 0))
    tgtT = jnp.transpose(tgt, (1, 0))

    ctx_partial = _sc_gather_t(tabT, xcT_flat)
    ctxT, clsT = _tc_assemble(x_contT, WT, bT, tgtT, ctx_partial)

    context = jnp.transpose(
        ctxT.reshape(N_CONT + N_CAT, D, B), (2, 0, 1))
    class_embeddings = jnp.transpose(clsT.reshape(N_TGT, D, B), (2, 0, 1))
    return (class_embeddings, context)

# --- scband reference (transcript-rebuilt; emitter-appended) ---
"""Pipeline reference for scband-lin-41334765257034 (READ-ONLY COPY).

The authoritative reference and input builder live on the scoring server;
editing this copy changes nothing except your own understanding.
"""

import jax, jax.numpy as jnp
import numpy as np

B = 16384
N_CONT = 13
N_CAT = 26
VOCAB = 100000
D = 32
N_TGT = 2


def setup_inputs(seed: int = 0) -> dict:
    key = jax.random.key(seed)
    ks = jax.random.split(key, 6)
    x_cat = jax.random.randint(ks[0], (B, N_CAT), 0, VOCAB, dtype=jnp.int32)
    x_cont = jax.random.normal(ks[1], (B, N_CONT), dtype=jnp.float32)
    # per-continuous-feature Linear(1, D): weight [N_CONT, D], bias [N_CONT, D]
    lin_W = jax.random.normal(ks[2], (N_CONT, D), dtype=jnp.float32) * 0.1
    lin_b = jax.random.normal(ks[3], (N_CONT, D), dtype=jnp.float32) * 0.01
    # per-field embedding tables stacked: [N_CAT, VOCAB, D]
    cat_tables = jax.random.normal(ks[4], (N_CAT, VOCAB, D), dtype=jnp.float32) * 0.05
    # target-label embeddings (each nn.Embedding(1, D)) stacked: [N_TGT, D]
    tgt = jax.random.normal(ks[5], (N_TGT, D), dtype=jnp.float32) * 0.05
    return {"x_cat": x_cat, "x_cont": x_cont, "lin_W": lin_W, "lin_b": lin_b,
            "cat_tables": cat_tables, "tgt": tgt}


def reference(x_cat, x_cont, lin_W, lin_b, cat_tables, tgt):
    # continuous features: per-feature Linear(1, D):  x[:, i:i+1] @ W_i.T + b_i
    emb_cont = x_cont[:, :, None] * lin_W[None, :, :] + lin_b[None, :, :]  # [B, N_CONT, D]
    # categorical features: per-field embedding gather
    gather = jax.vmap(lambda tab, idx: jnp.take(tab, idx, axis=0), in_axes=(0, 1), out_axes=1)
    emb_cat = gather(cat_tables, x_cat)  # [B, N_CAT, D]
    context = jnp.concatenate([emb_cont, emb_cat], axis=1)  # [B, N_CONT + N_CAT, D]
    # target label embeddings: index 0 of each table, repeated over batch
    class_embeddings = jnp.broadcast_to(tgt[None, :, :], (x_cont.shape[0], N_TGT, D))
    return (class_embeddings, context)

if __name__ == "__main__":
    import jax
    _d = setup_inputs()
    print(jax.jit(kernel)(*tuple(_d.values())))

</pallas_src>

<mosaic_0001>
#map = affine_map<(d0, d1) -> (0, 0)>
#map1 = affine_map<(d0, d1) -> (0)>
module attributes {stable_mosaic.version = 14 : i64} {
  func.func @k(%arg0: i32, %arg1: i32, %arg2: memref<832x100000xf32, #tpu.memory_space<hbm>>, %arg3: memref<425984xi32, #tpu.memory_space<hbm>>, %arg4: memref<1248x16384xf32, #tpu.memory_space<hbm>>, %arg5: memref<1x100000xf32, #tpu.memory_space<vmem>>, %arg6: memref<16384xi32, #tpu.memory_space<vmem>>, %arg7: memref<3x1x4096xf32, #tpu.memory_space<vmem>>, %arg8: memref<3x!tpu.dma_semaphore, #tpu.memory_space<semaphore_mem>>) attributes {dimension_semantics = [#tpu.dimension_semantics<core_parallel>, #tpu.dimension_semantics<subcore_parallel>], iteration_bounds = array<i64: 2, 16>, scalar_prefetch = 0 : i64, scratch_operands = 4 : i64, tpu.core_type = #tpu.core_type<sc_vector_subcore>, window_params = [{transform_indices = #map}, {transform_indices = #map1}, {transform_indices = #map}]} {
    %mul3A = arith.constant 2 : i32
    %mul3A_0 = arith.muli %arg1, %mul3A : i32
    %add3A = arith.addi %mul3A_0, %arg0 : i32
    %broadcast_in_dim3A = arith.constant 0 : i32
    %broadcast_in_dim3A_1 = vector.broadcast %broadcast_in_dim3A : i32 to vector<16xi32>
    %dma_start3A = arith.constant 0 : i32
    %dma_start3A_2 = arith.constant 0 : i32
    %dma_start3A_3 = arith.constant 0 : i32
    %dma_start3A_4 = arith.constant 0 : i32
    %dma_start3A_5 = tpu.memref_slice %arg7[%dma_start3A, %dma_start3A_3, %dma_start3A_4] : memref<3x1x4096xf32, #tpu.memory_space<vmem>> -> memref<1x1x4096xf32, #tpu.memory_space<vmem>>
    %dma_start3A_6 = tpu.memref_squeeze %dma_start3A_5 : memref<1x1x4096xf32, #tpu.memory_space<vmem>> -> memref<1x4096xf32, #tpu.memory_space<vmem>>
    %dma_start3A_7 = arith.constant 0 : i32
    %dma_start3A_8 = arith.constant 0 : i32
    %dma_start3A_9 = tpu.memref_slice %arg2[%dma_start3A_7, %dma_start3A_8] : memref<832x100000xf32, #tpu.memory_space<hbm>> -> memref<1x4096xf32, #tpu.memory_space<hbm>>
    %dma_start3A_10 = tpu.memref_slice %arg8[%dma_start3A_2] : memref<3x!tpu.dma_semaphore, #tpu.memory_space<semaphore_mem>> -> memref<1x!tpu.dma_semaphore, #tpu.memory_space<semaphore_mem>>
    %dma_start3A_11 = tpu.memref_squeeze %dma_start3A_10 : memref<1x!tpu.dma_semaphore, #tpu.memory_space<semaphore_mem>> -> memref<!tpu.dma_semaphore, #tpu.memory_space<semaphore_mem>>
    %dma_start3A_12 = arith.constant 0 : i32
    %dma_start3A_13 = arith.constant 0 : i32
    %dma_start3A_14 = tpu.memref_slice %arg7[%dma_start3A, %dma_start3A_12, %dma_start3A_13] : memref<3x1x4096xf32, #tpu.memory_space<vmem>> -> memref<1x1x4096xf32, #tpu.memory_space<vmem>>
    %dma_start3A_15 = tpu.memref_squeeze %dma_start3A_14 : memref<1x1x4096xf32, #tpu.memory_space<vmem>> -> memref<1x4096xf32, #tpu.memory_space<vmem>>
    %dma_start3A_16 = arith.constant 0 : i32
    %dma_start3A_17 = arith.constant 0 : i32
    %dma_start3A_18 = tpu.memref_slice %arg2[%dma_start3A_16, %dma_start3A_17] : memref<832x100000xf32, #tpu.memory_space<hbm>> -> memref<1x4096xf32, #tpu.memory_space<hbm>>
    tpu.enqueue_dma source(%dma_start3A_18 : memref<1x4096xf32, #tpu.memory_space<hbm>>) target(%dma_start3A_15 : memref<1x4096xf32, #tpu.memory_space<vmem>>) target_semaphore(%dma_start3A_11 : memref<!tpu.dma_semaphore, #tpu.memory_space<semaphore_mem>>)
    %dma_start3A_19 = arith.constant 1 : i32
    %dma_start3A_20 = arith.constant 1 : i32
    %dma_start3A_21 = arith.constant 0 : i32
    %dma_start3A_22 = arith.constant 0 : i32
    %dma_start3A_23 = tpu.memref_slice %arg7[%dma_start3A_19, %dma_start3A_21, %dma_start3A_22] : memref<3x1x4096xf32, #tpu.memory_space<vmem>> -> memref<1x1x4096xf32, #tpu.memory_space<vmem>>
    %dma_start3A_24 = tpu.memref_squeeze %dma_start3A_23 : memref<1x1x4096xf32, #tpu.memory_space<vmem>> -> memref<1x4096xf32, #tpu.memory_space<vmem>>
    %dma_start3A_25 = arith.constant 0 : i32
    %dma_start3A_26 = arith.constant 0 : i32
    %dma_start3A_27 = tpu.memref_slice %arg2[%dma_start3A_25, %dma_start3A_26] : memref<832x100000xf32, #tpu.memory_space<hbm>> -> memref<1x4096xf32, #tpu.memory_space<hbm>>
    %dma_start3A_28 = tpu.memref_slice %arg8[%dma_start3A_20] : memref<3x!tpu.dma_semaphore, #tpu.memory_space<semaphore_mem>> -> memref<1x!tpu.dma_semaphore, #tpu.memory_space<semaphore_mem>>
    %dma_start3A_29 = tpu.memref_squeeze %dma_start3A_28 : memref<1x!tpu.dma_semaphore, #tpu.memory_space<semaphore_mem>> -> memref<!tpu.dma_semaphore, #tpu.memory_space<semaphore_mem>>
    %dma_start3A_30 = arith.constant 0 : i32
    %dma_start3A_31 = arith.constant 0 : i32
    %dma_start3A_32 = tpu.memref_slice %arg7[%dma_start3A_19, %dma_start3A_30, %dma_start3A_31] : memref<3x1x4096xf32, #tpu.memory_space<vmem>> -> memref<1x1x4096xf32, #tpu.memory_space<vmem>>
    %dma_start3A_33 = tpu.memref_squeeze %dma_start3A_32 : memref<1x1x4096xf32, #tpu.memory_space<vmem>> -> memref<1x4096xf32, #tpu.memory_space<vmem>>
    %dma_start3A_34 = arith.constant 0 : i32
    %dma_start3A_35 = arith.constant 0 : i32
    %dma_start3A_36 = tpu.memref_slice %arg2[%dma_start3A_34, %dma_start3A_35] : memref<832x100000xf32, #tpu.memory_space<hbm>> -> memref<1x4096xf32, #tpu.memory_space<hbm>>
    tpu.enqueue_dma source(%dma_start3A_36 : memref<1x4096xf32, #tpu.memory_space<hbm>>) target(%dma_start3A_33 : memref<1x4096xf32, #tpu.memory_space<vmem>>) target_semaphore(%dma_start3A_29 : memref<!tpu.dma_semaphore, #tpu.memory_space<semaphore_mem>>)
    %dma_start3A_37 = arith.constant 2 : i32
    %dma_start3A_38 = arith.constant 2 : i32
    %dma_start3A_39 = arith.constant 0 : i32
    %dma_start3A_40 = arith.constant 0 : i32
    %dma_start3A_41 = tpu.memref_slice %arg7[%dma_start3A_37, %dma_start3A_39, %dma_start3A_40] : memref<3x1x4096xf32, #tpu.memory_space<vmem>> -> memref<1x1x4096xf32, #tpu.memory_space<vmem>>
    %dma_start3A_42 = tpu.memref_squeeze %dma_start3A_41 : memref<1x1x4096xf32, #tpu.memory_space<vmem>> -> memref<1x4096xf32, #tpu.memory_space<vmem>>
    %dma_start3A_43 = arith.constant 0 : i32
    %dma_start3A_44 = arith.constant 0 : i32
    %dma_start3A_45 = tpu.memref_slice %arg2[%dma_start3A_43, %dma_start3A_44] : memref<832x100000xf32, #tpu.memory_space<hbm>> -> memref<1x4096xf32, #tpu.memory_space<hbm>>
    %dma_start3A_46 = tpu.memref_slice %arg8[%dma_start3A_38] : memref<3x!tpu.dma_semaphore, #tpu.memory_space<semaphore_mem>> -> memref<1x!tpu.dma_semaphore, #tpu.memory_space<semaphore_mem>>
    %dma_start3A_47 = tpu.memref_squeeze %dma_start3A_46 : memref<1x!tpu.dma_semaphore, #tpu.memory_space<semaphore_mem>> -> memref<!tpu.dma_semaphore, #tpu.memory_space<semaphore_mem>>
    %dma_start3A_48 = arith.constant 0 : i32
    %dma_start3A_49 = arith.constant 0 : i32
    %dma_start3A_50 = tpu.memref_slice %arg7[%dma_start3A_37, %dma_start3A_48, %dma_start3A_49] : memref<3x1x4096xf32, #tpu.memory_space<vmem>> -> memref<1x1x4096xf32, #tpu.memory_space<vmem>>
    %dma_start3A_51 = tpu.memref_squeeze %dma_start3A_50 : memref<1x1x4096xf32, #tpu.memory_space<vmem>> -> memref<1x4096xf32, #tpu.memory_space<vmem>>
    %dma_start3A_52 = arith.constant 0 : i32
    %dma_start3A_53 = arith.constant 0 : i32
    %dma_start3A_54 = tpu.memref_slice %arg2[%dma_start3A_52, %dma_start3A_53] : memref<832x100000xf32, #tpu.memory_space<hbm>> -> memref<1x4096xf32, #tpu.memory_space<hbm>>
    tpu.enqueue_dma source(%dma_start3A_54 : memref<1x4096xf32, #tpu.memory_space<hbm>>) target(%dma_start3A_51 : memref<1x4096xf32, #tpu.memory_space<vmem>>) target_semaphore(%dma_start3A_47 : memref<!tpu.dma_semaphore, #tpu.memory_space<semaphore_mem>>)
    %scan3A = arith.constant -1 : i32
    %scan3A_55 = arith.constant 0 : i32
    %scan3A_56 = arith.constant 26 : i32
    %scan3A_57 = arith.addi %scan3A_55, %scan3A_56 : i32
    %scan3A_58 = arith.constant 1 : i32
    %scan3A_59 = scf.for %scan3A_114 = %scan3A_55 to %scan3A_57 step %scan3A_58 iter_args(%scan3A_115 = %scan3A) -> (i32)  : i32 {
      %mul3A_116 = arith.constant 26 : i32
      %mul3A_117 = arith.muli %add3A, %mul3A_116 : i32
      %add3A_118 = arith.addi %mul3A_117, %scan3A_114 : i32
      %jit3A = arith.constant 32 : i32
      %div3A = arith.divsi %add3A_118, %jit3A : i32
      %sign3A = arith.constant 0 : i32
      %sign3A_119 = arith.cmpi sgt, %add3A_118, %sign3A : i32
      %sign3A_120 = arith.extui %sign3A_119 : i1 to i32
      %sign3A_121 = arith.constant 0 : i32
      %sign3A_122 = arith.cmpi slt, %add3A_118, %sign3A_121 : i32
      %sign3A_123 = arith.extui %sign3A_122 : i1 to i32
      %sign3A_124 = arith.subi %sign3A_120, %sign3A_123 : i32
      %sign3A_125 = arith.constant 0 : i32
      %sign3A_126 = arith.cmpi sgt, %jit3A, %sign3A_125 : i32
      %sign3A_127 = arith.extui %sign3A_126 : i1 to i32
      %sign3A_128 = arith.constant 0 : i32
      %sign3A_129 = arith.cmpi slt, %jit3A, %sign3A_128 : i32
      %sign3A_130 = arith.extui %sign3A_129 : i1 to i32
      %sign3A_131 = arith.subi %sign3A_127, %sign3A_130 : i32
      %ne3A = arith.cmpi ne, %sign3A_124, %sign3A_131 : i32
      %rem3A = arith.remsi %add3A_118, %jit3A : i32
      %ne3A_132 = arith.constant 0 : i32
      %ne3A_133 = arith.cmpi ne, %rem3A, %ne3A_132 : i32
      %and3A = arith.andi %ne3A, %ne3A_133 : i1
      %sub3A = arith.constant 1 : i32
      %sub3A_134 = arith.subi %div3A, %sub3A : i32
      %select_n3A = arith.select %and3A, %sub3A_134, %div3A : i32
      %ne3A_135 = arith.cmpi ne, %select_n3A, %scan3A_115 : i32
      %convert_element_type3A = arith.extui %ne3A_135 : i1 to i32
      %cond3A = arith.constant 0 : i32
      %cond3A_136 = arith.cmpi ne, %convert_element_type3A, %cond3A : i32
      scf.if %cond3A_136 {
        %mul3A_305 = arith.constant 16384 : i32
        %mul3A_306 = arith.muli %select_n3A, %mul3A_305 : i32
        "tpu.region"() ({
          %run_scoped3A = tpu.sem_alloc : memref<!tpu.dma_semaphore, #tpu.memory_space<semaphore_mem>>
          %dma_start3A_307 = tpu.memref_slice %arg3[%mul3A_306] : memref<425984xi32, #tpu.memory_space<hbm>> -> memref<16384xi32, #tpu.memory_space<hbm>>
          %dma_start3A_308 = tpu.memref_slice %arg3[%mul3A_306] : memref<425984xi32, #tpu.memory_space<hbm>> -> memref<16384xi32, #tpu.memory_space<hbm>>
          tpu.enqueue_dma source(%dma_start3A_308 : memref<16384xi32, #tpu.memory_space<hbm>>) target(%arg6 : memref<16384xi32, #tpu.memory_space<vmem>>) target_semaphore(%run_scoped3A : memref<!tpu.dma_semaphore, #tpu.memory_space<semaphore_mem>>)
          %dma_wait3A_309 = tpu.memref_slice %arg3[%mul3A_306] : memref<425984xi32, #tpu.memory_space<hbm>> -> memref<16384xi32, #tpu.memory_space<hbm>>
          %dma_wait3A_310 = tpu.memref_slice %arg3[%mul3A_306] : memref<425984xi32, #tpu.memory_space<hbm>> -> memref<16384xi32, #tpu.memory_space<hbm>>
          tpu.wait_dma2 semaphore(%run_scoped3A : memref<!tpu.dma_semaphore, #tpu.memory_space<semaphore_mem>>) src(%dma_wait3A_310 : memref<16384xi32, #tpu.memory_space<hbm>>) dst(%arg6 : memref<16384xi32, #tpu.memory_space<vmem>>)
          tpu.yield
        }) : () -> ()
      } else {
      }
      "tpu.region"() ({
        %run_scoped3A = tpu.sem_alloc : memref<!tpu.dma_semaphore, #tpu.memory_space<semaphore_mem>>
        %dma_start3A_305 = arith.constant 0 : i32
        %dma_start3A_306 = tpu.memref_slice %arg2[%add3A_118, %dma_start3A_305] : memref<832x100000xf32, #tpu.memory_space<hbm>> -> memref<1x100000xf32, #tpu.memory_space<hbm>>
        %dma_start3A_307 = arith.constant 0 : i32
        %dma_start3A_308 = tpu.memref_slice %arg2[%add3A_118, %dma_start3A_307] : memref<832x100000xf32, #tpu.memory_space<hbm>> -> memref<1x100000xf32, #tpu.memory_space<hbm>>
        tpu.enqueue_dma source(%dma_start3A_308 : memref<1x100000xf32, #tpu.memory_space<hbm>>) target(%arg5 : memref<1x100000xf32, #tpu.memory_space<vmem>>) target_semaphore(%run_scoped3A : memref<!tpu.dma_semaphore, #tpu.memory_space<semaphore_mem>>)
        %dma_wait3A_309 = arith.constant 0 : i32
        %dma_wait3A_310 = tpu.memref_slice %arg2[%add3A_118, %dma_wait3A_309] : memref<832x100000xf32, #tpu.memory_space<hbm>> -> memref<1x100000xf32, #tpu.memory_space<hbm>>
        %dma_wait3A_311 = arith.constant 0 : i32
        %dma_wait3A_312 = tpu.memref_slice %arg2[%add3A_118, %dma_wait3A_311] : memref<832x100000xf32, #tpu.memory_space<hbm>> -> memref<1x100000xf32, #tpu.memory_space<hbm>>
        tpu.wait_dma2 semaphore(%run_scoped3A : memref<!tpu.dma_semaphore, #tpu.memory_space<semaphore_mem>>) src(%dma_wait3A_312 : memref<1x100000xf32, #tpu.memory_space<hbm>>) dst(%arg5 : memref<1x100000xf32, #tpu.memory_space<vmem>>)
        tpu.yield
      }) : () -> ()
      %dma_wait3A_137 = arith.constant 0 : i32
      %dma_wait3A_138 = arith.constant 0 : i32
      %dma_wait3A_139 = arith.constant 0 : i32
      %dma_wait3A_140 = arith.constant 0 : i32
      %dma_wait3A_141 = tpu.memref_slice %arg7[%dma_wait3A_137, %dma_wait3A_139, %dma_wait3A_140] : memref<3x1x4096xf32, #tpu.memory_space<vmem>> -> memref<1x1x4096xf32, #tpu.memory_space<vmem>>
      %dma_wait3A_142 = tpu.memref_squeeze %dma_wait3A_141 : memref<1x1x4096xf32, #tpu.memory_space<vmem>> -> memref<1x4096xf32, #tpu.memory_space<vmem>>
      %dma_wait3A_143 = arith.constant 0 : i32
      %dma_wait3A_144 = arith.constant 0 : i32
      %dma_wait3A_145 = tpu.memref_slice %arg2[%dma_wait3A_143, %dma_wait3A_144] : memref<832x100000xf32, #tpu.memory_space<hbm>> -> memref<1x4096xf32, #tpu.memory_space<hbm>>
      %dma_wait3A_146 = tpu.memref_slice %arg8[%dma_wait3A_138] : memref<3x!tpu.dma_semaphore, #tpu.memory_space<semaphore_mem>> -> memref<1x!tpu.dma_semaphore, #tpu.memory_space<semaphore_mem>>
      %dma_wait3A_147 = tpu.memref_squeeze %dma_wait3A_146 : memref<1x!tpu.dma_semaphore, #tpu.memory_space<semaphore_mem>> -> memref<!tpu.dma_semaphore, #tpu.memory_space<semaphore_mem>>
      %dma_wait3A_148 = arith.constant 0 : i32
      %dma_wait3A_149 = arith.constant 0 : i32
      %dma_wait3A_150 = tpu.memref_slice %arg7[%dma_wait3A_137, %dma_wait3A_148, %dma_wait3A_149] : memref<3x1x4096xf32, #tpu.memory_space<vmem>> -> memref<1x1x4096xf32, #tpu.memory_space<vmem>>
      %dma_wait3A_151 = tpu.memref_squeeze %dma_wait3A_150 : memref<1x1x4096xf32, #tpu.memory_space<vmem>> -> memref<1x4096xf32, #tpu.memory_space<vmem>>
      %dma_wait3A_152 = arith.constant 0 : i32
      %dma_wait3A_153 = arith.constant 0 : i32
      %dma_wait3A_154 = tpu.memref_slice %arg2[%dma_wait3A_152, %dma_wait3A_153] : memref<832x100000xf32, #tpu.memory_space<hbm>> -> memref<1x4096xf32, #tpu.memory_space<hbm>>
      tpu.wait_dma2 semaphore(%dma_wait3A_147 : memref<!tpu.dma_semaphore, #tpu.memory_space<semaphore_mem>>) src(%dma_wait3A_154 : memref<1x4096xf32, #tpu.memory_space<hbm>>) dst(%dma_wait3A_151 : memref<1x4096xf32, #tpu.memory_space<vmem>>)
      %scan3A_155 = arith.constant 0 : i32
      %scan3A_156 = arith.constant 0 : i32
      %scan3A_157 = arith.constant 256 : i32
      %scan3A_158 = arith.addi %scan3A_156, %scan3A_157 : i32
      %scan3A_159 = arith.constant 8 : i32
      scf.for %scan3A_305 = %scan3A_156 to %scan3A_158 step %scan3A_159  : i32 {
        %add3A_306 = arith.constant 0 : i32
        %add3A_307 = arith.addi %add3A_306, %scan3A_305 : i32
        %mul3A_308 = arith.constant 16 : i32
        %mul3A_309 = arith.muli %add3A_307, %mul3A_308 : i32
        %get3A = arith.index_cast %mul3A_309 : i32 to index
        %get3A_310 = tpu.vector_load %arg6[%get3A] {strides = array<i32>} : memref<16384xi32, #tpu.memory_space<vmem>>, vector<16xi32>,
        %gather3A = tpu.vector_load_idx %arg5[%broadcast_in_dim3A_1, %get3A_310] : memref<1x100000xf32, #tpu.memory_space<vmem>>[vector<16xi32>, vector<16xi32>], vector<16xf32>,
        %mul3A_311 = arith.constant 16 : i32
        %mul3A_312 = arith.muli %scan3A_305, %mul3A_311 : i32
        %swap3A = arith.constant 0 : i32
        %swap3A_313 = arith.constant 0 : i32
        %swap3A_314 = arith.constant 0 : i32
        %swap3A_315 = arith.constant 0 : i32
        %swap3A_316 = tpu.memref_slice %arg7[%swap3A, %swap3A_314, %swap3A_315] : memref<3x1x4096xf32, #tpu.memory_space<vmem>> -> memref<1x1x4096xf32, #tpu.memory_space<vmem>>
        %swap3A_317 = tpu.memref_squeeze %swap3A_316 : memref<1x1x4096xf32, #tpu.memory_space<vmem>> -> memref<1x4096xf32, #tpu.memory_space<vmem>>
        %swap3A_318 = arith.index_cast %swap3A_313 : i32 to index
        %swap3A_319 = arith.index_cast %mul3A_312 : i32 to index
        %swap3A_320 = tpu.vector_load %swap3A_317[%swap3A_318, %swap3A_319] {strides = array<i32>} : memref<1x4096xf32, #tpu.memory_space<vmem>>, vector<16xf32>,
        tpu.vector_store %swap3A_317[%swap3A_318, %swap3A_319], %gather3A {strides = array<i32>} : memref<1x4096xf32, #tpu.memory_space<vmem>>, vector<16xf32>,
        %scan3A_321 = arith.constant 1 : i32
        %scan3A_322 = arith.addi %scan3A_305, %scan3A_321 : i32
        %add3A_323 = arith.constant 0 : i32
        %add3A_324 = arith.addi %add3A_323, %scan3A_322 : i32
        %mul3A_325 = arith.constant 16 : i32
        %mul3A_326 = arith.muli %add3A_324, %mul3A_325 : i32
        %get3A_327 = arith.index_cast %mul3A_326 : i32 to index
        %get3A_328 = tpu.vector_load %arg6[%get3A_327] {strides = array<i32>} : memref<16384xi32, #tpu.memory_space<vmem>>, vector<16xi32>,
        %gather3A_329 = tpu.vector_load_idx %arg5[%broadcast_in_dim3A_1, %get3A_328] : memref<1x100000xf32, #tpu.memory_space<vmem>>[vector<16xi32>, vector<16xi32>], vector<16xf32>,
        %mul3A_330 = arith.constant 16 : i32
        %mul3A_331 = arith.muli %scan3A_322, %mul3A_330 : i32
        %swap3A_332 = arith.constant 0 : i32
        %swap3A_333 = arith.constant 0 : i32
        %swap3A_334 = arith.constant 0 : i32
        %swap3A_335 = arith.constant 0 : i32
        %swap3A_336 = tpu.memref_slice %arg7[%swap3A_332, %swap3A_334, %swap3A_335] : memref<3x1x4096xf32, #tpu.memory_space<vmem>> -> memref<1x1x4096xf32, #tpu.memory_space<vmem>>
        %swap3A_337 = tpu.memref_squeeze %swap3A_336 : memref<1x1x4096xf32, #tpu.memory_space<vmem>> -> memref<1x4096xf32, #tpu.memory_space<vmem>>
        %swap3A_338 = arith.index_cast %swap3A_333 : i32 to index
        %swap3A_339 = arith.index_cast %mul3A_331 : i32 to index
        %swap3A_340 = tpu.vector_load %swap3A_337[%swap3A_338, %swap3A_339] {strides = array<i32>} : memref<1x4096xf32, #tpu.memory_space<vmem>>, vector<16xf32>,
        tpu.vector_store %swap3A_337[%swap3A_338, %swap3A_339], %gather3A_329 {strides = array<i32>} : memref<1x4096xf32, #tpu.memory_space<vmem>>, vector<16xf32>,
        %scan3A_341 = arith.constant 2 : i32
        %scan3A_342 = arith.addi %scan3A_305, %scan3A_341 : i32
        %add3A_343 = arith.constant 0 : i32
        %add3A_344 = arith.addi %add3A_343, %scan3A_342 : i32
        %mul3A_345 = arith.constant 16 : i32
        %mul3A_346 = arith.muli %add3A_344, %mul3A_345 : i32
        %get3A_347 = arith.index_cast %mul3A_346 : i32 to index
        %get3A_348 = tpu.vector_load %arg6[%get3A_347] {strides = array<i32>} : memref<16384xi32, #tpu.memory_space<vmem>>, vector<16xi32>,
        %gather3A_349 = tpu.vector_load_idx %arg5[%broadcast_in_dim3A_1, %get3A_348] : memref<1x100000xf32, #tpu.memory_space<vmem>>[vector<16xi32>, vector<16xi32>], vector<16xf32>,
        %mul3A_350 = arith.constant 16 : i32
        %mul3A_351 = arith.muli %scan3A_342, %mul3A_350 : i32
        %swap3A_352 = arith.constant 0 : i32
        %swap3A_353 = arith.constant 0 : i32
        %swap3A_354 = arith.constant 0 : i32
        %swap3A_355 = arith.constant 0 : i32
        %swap3A_356 = tpu.memref_slice %arg7[%swap3A_352, %swap3A_354, %swap3A_355] : memref<3x1x4096xf32, #tpu.memory_space<vmem>> -> memref<1x1x4096xf32, #tpu.memory_space<vmem>>
        %swap3A_357 = tpu.memref_squeeze %swap3A_356 : memref<1x1x4096xf32, #tpu.memory_space<vmem>> -> memref<1x4096xf32, #tpu.memory_space<vmem>>
        %swap3A_358 = arith.index_cast %swap3A_353 : i32 to index
        %swap3A_359 = arith.index_cast %mul3A_351 : i32 to index
        %swap3A_360 = tpu.vector_load %swap3A_357[%swap3A_358, %swap3A_359] {strides = array<i32>} : memref<1x4096xf32, #tpu.memory_space<vmem>>, vector<16xf32>,
        tpu.vector_store %swap3A_357[%swap3A_358, %swap3A_359], %gather3A_349 {strides = array<i32>} : memref<1x4096xf32, #tpu.memory_space<vmem>>, vector<16xf32>,
        %scan3A_361 = arith.constant 3 : i32
        %scan3A_362 = arith.addi %scan3A_305, %scan3A_361 : i32
        %add3A_363 = arith.constant 0 : i32
        %add3A_364 = arith.addi %add3A_363, %scan3A_362 : i32
        %mul3A_365 = arith.constant 16 : i32
        %mul3A_366 = arith.muli %add3A_364, %mul3A_365 : i32
        %get3A_367 = arith.index_cast %mul3A_366 : i32 to index
        %get3A_368 = tpu.vector_load %arg6[%get3A_367] {strides = array<i32>} : memref<16384xi32, #tpu.memory_space<vmem>>, vector<16xi32>,
        %gather3A_369 = tpu.vector_load_idx %arg5[%broadcast_in_dim3A_1, %get3A_368] : memref<1x100000xf32, #tpu.memory_space<vmem>>[vector<16xi32>, vector<16xi32>], vector<16xf32>,
        %mul3A_370 = arith.constant 16 : i32
        %mul3A_371 = arith.muli %scan3A_362, %mul3A_370 : i32
        %swap3A_372 = arith.constant 0 : i32
        %swap3A_373 = arith.constant 0 : i32
        %swap3A_374 = arith.constant 0 : i32
        %swap3A_375 = arith.constant 0 : i32
        %swap3A_376 = tpu.memref_slice %arg7[%swap3A_372, %swap3A_374, %swap3A_375] : memref<3x1x4096xf32, #tpu.memory_space<vmem>> -> memref<1x1x4096xf32, #tpu.memory_space<vmem>>
        %swap3A_377 = tpu.memref_squeeze %swap3A_376 : memref<1x1x4096xf32, #tpu.memory_space<vmem>> -> memref<1x4096xf32, #tpu.memory_space<vmem>>
        %swap3A_378 = arith.index_cast %swap3A_373 : i32 to index
        %swap3A_379 = arith.index_cast %mul3A_371 : i32 to index
        %swap3A_380 = tpu.vector_load %swap3A_377[%swap3A_378, %swap3A_379] {strides = array<i32>} : memref<1x4096xf32, #tpu.memory_space<vmem>>, vector<16xf32>,
        tpu.vector_store %swap3A_377[%swap3A_378, %swap3A_379], %gather3A_369 {strides = array<i32>} : memref<1x4096xf32, #tpu.memory_space<vmem>>, vector<16xf32>,
        %scan3A_381 = arith.constant 4 : i32
        %scan3A_382 = arith.addi %scan3A_305, %scan3A_381 : i32
        %add3A_383 = arith.constant 0 : i32
        %add3A_384 = arith.addi %add3A_383, %scan3A_382 : i32
        %mul3A_385 = arith.constant 16 : i32
        %mul3A_386 = arith.muli %add3A_384, %mul3A_385 : i32
        %get3A_387 = arith.index_cast %mul3A_386 : i32 to index
        %get3A_388 = tpu.vector_load %arg6[%get3A_387] {strides = array<i32>} : memref<16384xi32, #tpu.memory_space<vmem>>, vector<16xi32>,
        %gather3A_389 = tpu.vector_load_idx %arg5[%broadcast_in_dim3A_1, %get3A_388] : memref<1x100000xf32, #tpu.memory_space<vmem>>[vector<16xi32>, vector<16xi32>], vector<16xf32>,
        %mul3A_390 = arith.constant 16 : i32
        %mul3A_391 = arith.muli %scan3A_382, %mul3A_390 : i32
        %swap3A_392 = arith.constant 0 : i32
        %swap3A_393 = arith.constant 0 : i32
        %swap3A_394 = arith.constant 0 : i32
        %swap3A_395 = arith.constant 0 : i32
        %swap3A_396 = tpu.memref_slice %arg7[%swap3A_392, %swap3A_394, %swap3A_395] : memref<3x1x4096xf32, #tpu.memory_space<vmem>> -> memref<1x1x4096xf32, #tpu.memory_space<vmem>>
        %swap3A_397 = tpu.memref_squeeze %swap3A_396 : memref<1x1x4096xf32, #tpu.memory_space<vmem>> -> memref<1x4096xf32, #tpu.memory_space<vmem>>
        %swap3A_398 = arith.index_cast %swap3A_393 : i32 to index
        %swap3A_399 = arith.index_cast %mul3A_391 : i32 to index
        %swap3A_400 = tpu.vector_load %swap3A_397[%swap3A_398, %swap3A_399] {strides = array<i32>} : memref<1x4096xf32, #tpu.memory_space<vmem>>, vector<16xf32>,
        tpu.vector_store %swap3A_397[%swap3A_398, %swap3A_399], %gather3A_389 {strides = array<i32>} : memref<1x4096xf32, #tpu.memory_space<vmem>>, vector<16xf32>,
        %scan3A_401 = arith.constant 5 : i32
        %scan3A_402 = arith.addi %scan3A_305, %scan3A_401 : i32
        %add3A_403 = arith.constant 0 : i32
        %add3A_404 = arith.addi %add3A_403, %scan3A_402 : i32
        %mul3A_405 = arith.constant 16 : i32
        %mul3A_406 = arith.muli %add3A_404, %mul3A_405 : i32
        %get3A_407 = arith.index_cast %mul3A_406 : i32 to index
        %get3A_408 = tpu.vector_load %arg6[%get3A_407] {strides = array<i32>} : memref<16384xi32, #tpu.memory_space<vmem>>, vector<16xi32>,
        %gather3A_409 = tpu.vector_load_idx %arg5[%broadcast_in_dim3A_1, %get3A_408] : memref<1x100000xf32, #tpu.memory_space<vmem>>[vector<16xi32>, vector<16xi32>], vector<16xf32>,
        %mul3A_410 = arith.constant 16 : i32
        %mul3A_411 = arith.muli %scan3A_402, %mul3A_410 : i32
        %swap3A_412 = arith.constant 0 : i32
        %swap3A_413 = arith.constant 0 : i32
        %swap3A_414 = arith.constant 0 : i32
        %swap3A_415 = arith.constant 0 : i32
        %swap3A_416 = tpu.memref_slice %arg7[%swap3A_412, %swap3A_414, %swap3A_415] : memref<3x1x4096xf32, #tpu.memory_space<vmem>> -> memref<1x1x4096xf32, #tpu.memory_space<vmem>>
        %swap3A_417 = tpu.memref_squeeze %swap3A_416 : memref<1x1x4096xf32, #tpu.memory_space<vmem>> -> memref<1x4096xf32, #tpu.memory_space<vmem>>
        %swap3A_418 = arith.index_cast %swap3A_413 : i32 to index
        %swap3A_419 = arith.index_cast %mul3A_411 : i32 to index
        %swap3A_420 = tpu.vector_load %swap3A_417[%swap3A_418, %swap3A_419] {strides = array<i32>} : memref<1x4096xf32, #tpu.memory_space<vmem>>, vector<16xf32>,
        tpu.vector_store %swap3A_417[%swap3A_418, %swap3A_419], %gather3A_409 {strides = array<i32>} : memref<1x4096xf32, #tpu.memory_space<vmem>>, vector<16xf32>,
        %scan3A_421 = arith.constant 6 : i32
        %scan3A_422 = arith.addi %scan3A_305, %scan3A_421 : i32
        %add3A_423 = arith.constant 0 : i32
        %add3A_424 = arith.addi %add3A_423, %scan3A_422 : i32
        %mul3A_425 = arith.constant 16 : i32
        %mul3A_426 = arith.muli %add3A_424, %mul3A_425 : i32
        %get3A_427 = arith.index_cast %mul3A_426 : i32 to index
        %get3A_428 = tpu.vector_load %arg6[%get3A_427] {strides = array<i32>} : memref<16384xi32, #tpu.memory_space<vmem>>, vector<16xi32>,
        %gather3A_429 = tpu.vector_load_idx %arg5[%broadcast_in_dim3A_1, %get3A_428] : memref<1x100000xf32, #tpu.memory_space<vmem>>[vector<16xi32>, vector<16xi32>], vector<16xf32>,
        %mul3A_430 = arith.constant 16 : i32
        %mul3A_431 = arith.muli %scan3A_422, %mul3A_430 : i32
        %swap3A_432 = arith.constant 0 : i32
        %swap3A_433 = arith.constant 0 : i32
        %swap3A_434 = arith.constant 0 : i32
        %swap3A_435 = arith.constant 0 : i32
        %swap3A_436 = tpu.memref_slice %arg7[%swap3A_432, %swap3A_434, %swap3A_435] : memref<3x1x4096xf32, #tpu.memory_space<vmem>> -> memref<1x1x4096xf32, #tpu.memory_space<vmem>>
        %swap3A_437 = tpu.memref_squeeze %swap3A_436 : memref<1x1x4096xf32, #tpu.memory_space<vmem>> -> memref<1x4096xf32, #tpu.memory_space<vmem>>
        %swap3A_438 = arith.index_cast %swap3A_433 : i32 to index
        %swap3A_439 = arith.index_cast %mul3A_431 : i32 to index
        %swap3A_440 = tpu.vector_load %swap3A_437[%swap3A_438, %swap3A_439] {strides = array<i32>} : memref<1x4096xf32, #tpu.memory_space<vmem>>, vector<16xf32>,
        tpu.vector_store %swap3A_437[%swap3A_438, %swap3A_439], %gather3A_429 {strides = array<i32>} : memref<1x4096xf32, #tpu.memory_space<vmem>>, vector<16xf32>,
        %scan3A_441 = arith.constant 7 : i32
        %scan3A_442 = arith.addi %scan3A_305, %scan3A_441 : i32
        %add3A_443 = arith.constant 0 : i32
        %add3A_444 = arith.addi %add3A_443, %scan3A_442 : i32
        %mul3A_445 = arith.constant 16 : i32
        %mul3A_446 = arith.muli %add3A_444, %mul3A_445 : i32
        %get3A_447 = arith.index_cast %mul3A_446 : i32 to index
        %get3A_448 = tpu.vector_load %arg6[%get3A_447] {strides = array<i32>} : memref<16384xi32, #tpu.memory_space<vmem>>, vector<16xi32>,
        %gather3A_449 = tpu.vector_load_idx %arg5[%broadcast_in_dim3A_1, %get3A_448] : memref<1x100000xf32, #tpu.memory_space<vmem>>[vector<16xi32>, vector<16xi32>], vector<16xf32>,
        %mul3A_450 = arith.constant 16 : i32
        %mul3A_451 = arith.muli %scan3A_442, %mul3A_450 : i32
        %swap3A_452 = arith.constant 0 : i32
        %swap3A_453 = arith.constant 0 : i32
        %swap3A_454 = arith.constant 0 : i32
        %swap3A_455 = arith.constant 0 : i32
        %swap3A_456 = tpu.memref_slice %arg7[%swap3A_452, %swap3A_454, %swap3A_455] : memref<3x1x4096xf32, #tpu.memory_space<vmem>> -> memref<1x1x4096xf32, #tpu.memory_space<vmem>>
        %swap3A_457 = tpu.memref_squeeze %swap3A_456 : memref<1x1x4096xf32, #tpu.memory_space<vmem>> -> memref<1x4096xf32, #tpu.memory_space<vmem>>
        %swap3A_458 = arith.index_cast %swap3A_453 : i32 to index
        %swap3A_459 = arith.index_cast %mul3A_451 : i32 to index
        %swap3A_460 = tpu.vector_load %swap3A_457[%swap3A_458, %swap3A_459] {strides = array<i32>} : memref<1x4096xf32, #tpu.memory_space<vmem>>, vector<16xf32>,
        tpu.vector_store %swap3A_457[%swap3A_458, %swap3A_459], %gather3A_449 {strides = array<i32>} : memref<1x4096xf32, #tpu.memory_space<vmem>>, vector<16xf32>,
      }
      %scan3A_160 = arith.constant 256 : i32
      %add3A_161 = arith.constant 416 : i32
      %add3A_162 = arith.addi %add3A_161, %add3A_118 : i32
      %dma_start3A_163 = arith.constant 0 : i32
      %dma_start3A_164 = arith.constant 0 : i32
      %dma_start3A_165 = arith.constant 0 : i32
      %dma_start3A_166 = arith.constant 0 : i32
      %dma_start3A_167 = tpu.memref_slice %arg7[%dma_start3A_163, %dma_start3A_165, %dma_start3A_166] : memref<3x1x4096xf32, #tpu.memory_space<vmem>> -> memref<1x1x4096xf32, #tpu.memory_space<vmem>>
      %dma_start3A_168 = tpu.memref_squeeze %dma_start3A_167 : memref<1x1x4096xf32, #tpu.memory_space<vmem>> -> memref<1x4096xf32, #tpu.memory_space<vmem>>
      %dma_start3A_169 = arith.constant 0 : i32
      %dma_start3A_170 = tpu.memref_slice %arg4[%add3A_162, %dma_start3A_169] : memref<1248x16384xf32, #tpu.memory_space<hbm>> -> memref<1x4096xf32, #tpu.memory_space<hbm>>
      %dma_start3A_171 = tpu.memref_slice %arg8[%dma_start3A_164] : memref<3x!tpu.dma_semaphore, #tpu.memory_space<semaphore_mem>> -> memref<1x!tpu.dma_semaphore, #tpu.memory_space<semaphore_mem>>
      %dma_start3A_172 = tpu.memref_squeeze %dma_start3A_171 : memref<1x!tpu.dma_semaphore, #tpu.memory_space<semaphore_mem>> -> memref<!tpu.dma_semaphore, #tpu.memory_space<semaphore_mem>>
      %dma_start3A_173 = arith.constant 0 : i32
      %dma_start3A_174 = tpu.memref_slice %arg4[%add3A_162, %dma_start3A_173] : memref<1248x16384xf32, #tpu.memory_space<hbm>> -> memref<1x4096xf32, #tpu.memory_space<hbm>>
      %dma_start3A_175 = arith.constant 0 : i32
      %dma_start3A_176 = arith.constant 0 : i32
      %dma_start3A_177 = tpu.memref_slice %arg7[%dma_start3A_163, %dma_start3A_175, %dma_start3A_176] : memref<3x1x4096xf32, #tpu.memory_space<vmem>> -> memref<1x1x4096xf32, #tpu.memory_space<vmem>>
      %dma_start3A_178 = tpu.memref_squeeze %dma_start3A_177 : memref<1x1x4096xf32, #tpu.memory_space<vmem>> -> memref<1x4096xf32, #tpu.memory_space<vmem>>
      tpu.enqueue_dma source(%dma_start3A_178 : memref<1x4096xf32, #tpu.memory_space<vmem>>) target(%dma_start3A_174 : memref<1x4096xf32, #tpu.memory_space<hbm>>) target_semaphore(%dma_start3A_172 : memref<!tpu.dma_semaphore, #tpu.memory_space<semaphore_mem>>)
      %dma_wait3A_179 = arith.constant 1 : i32
      %dma_wait3A_180 = arith.constant 1 : i32
      %dma_wait3A_181 = arith.constant 0 : i32
      %dma_wait3A_182 = arith.constant 0 : i32
      %dma_wait3A_183 = tpu.memref_slice %arg7[%dma_wait3A_179, %dma_wait3A_181, %dma_wait3A_182] : memref<3x1x4096xf32, #tpu.memory_space<vmem>> -> memref<1x1x4096xf32, #tpu.memory_space<vmem>>
      %dma_wait3A_184 = tpu.memref_squeeze %dma_wait3A_183 : memref<1x1x4096xf32, #tpu.memory_space<vmem>> -> memref<1x4096xf32, #tpu.memory_space<vmem>>
      %dma_wait3A_185 = arith.constant 0 : i32
      %dma_wait3A_186 = arith.constant 0 : i32
      %dma_wait3A_187 = tpu.memref_slice %arg2[%dma_wait3A_185, %dma_wait3A_186] : memref<832x100000xf32, #tpu.memory_space<hbm>> -> memref<1x4096xf32, #tpu.memory_space<hbm>>
      %dma_wait3A_188 = tpu.memref_slice %arg8[%dma_wait3A_180] : memref<3x!tpu.dma_semaphore, #tpu.memory_space<semaphore_mem>> -> memref<1x!tpu.dma_semaphore, #tpu.memory_space<semaphore_mem>>
      %dma_wait3A_189 = tpu.memref_squeeze %dma_wait3A_188 : memref<1x!tpu.dma_semaphore, #tpu.memory_space<semaphore_mem>> -> memref<!tpu.dma_semaphore, #tpu.memory_space<semaphore_mem>>
      %dma_wait3A_190 = arith.constant 0 : i32
      %dma_wait3A_191 = arith.constant 0 : i32
      %dma_wait3A_192 = tpu.memref_slice %arg7[%dma_wait3A_179, %dma_wait3A_190, %dma_wait3A_191] : memref<3x1x4096xf32, #tpu.memory_space<vmem>> -> memref<1x1x4096xf32, #tpu.memory_space<vmem>>
      %dma_wait3A_193 = tpu.memref_squeeze %dma_wait3A_192 : memref<1x1x4096xf32, #tpu.memory_space<vmem>> -> memref<1x4096xf32, #tpu.memory_space<vmem>>
      %dma_wait3A_194 = arith.constant 0 : i32
      %dma_wait3A_195 = arith.constant 0 : i32
      %dma_wait3A_196 = tpu.memref_slice %arg2[%dma_wait3A_194, %dma_wait3A_195] : memref<832x100000xf32, #tpu.memory_space<hbm>> -> memref<1x4096xf32, #tpu.memory_space<hbm>>
      tpu.wait_dma2 semaphore(%dma_wait3A_189 : memref<!tpu.dma_semaphore, #tpu.memory_space<semaphore_mem>>) src(%dma_wait3A_196 : memref<1x4096xf32, #tpu.memory_space<hbm>>) dst(%dma_wait3A_193 : memref<1x4096xf32, #tpu.memory_space<vmem>>)
      %scan3A_197 = arith.constant 0 : i32
      %scan3A_198 = arith.constant 0 : i32
      %scan3A_199 = arith.constant 256 : i32
      %scan3A_200 = arith.addi %scan3A_198, %scan3A_199 : i32
      %scan3A_201 = arith.constant 8 : i32
      scf.for %scan3A_305 = %scan3A_198 to %scan3A_200 step %scan3A_201  : i32 {
        %add3A_306 = arith.constant 256 : i32
        %add3A_307 = arith.addi %add3A_306, %scan3A_305 : i32
        %mul3A_308 = arith.constant 16 : i32
        %mul3A_309 = arith.muli %add3A_307, %mul3A_308 : i32
        %get3A = arith.index_cast %mul3A_309 : i32 to index
        %get3A_310 = tpu.vector_load %arg6[%get3A] {strides = array<i32>} : memref<16384xi32, #tpu.memory_space<vmem>>, vector<16xi32>,
        %gather3A = tpu.vector_load_idx %arg5[%broadcast_in_dim3A_1, %get3A_310] : memref<1x100000xf32, #tpu.memory_space<vmem>>[vector<16xi32>, vector<16xi32>], vector<16xf32>,
        %mul3A_311 = arith.constant 16 : i32
        %mul3A_312 = arith.muli %scan3A_305, %mul3A_311 : i32
        %swap3A = arith.constant 1 : i32
        %swap3A_313 = arith.constant 0 : i32
        %swap3A_314 = arith.constant 0 : i32
        %swap3A_315 = arith.constant 0 : i32
        %swap3A_316 = tpu.memref_slice %arg7[%swap3A, %swap3A_314, %swap3A_315] : memref<3x1x4096xf32, #tpu.memory_space<vmem>> -> memref<1x1x4096xf32, #tpu.memory_space<vmem>>
        %swap3A_317 = tpu.memref_squeeze %swap3A_316 : memref<1x1x4096xf32, #tpu.memory_space<vmem>> -> memref<1x4096xf32, #tpu.memory_space<vmem>>
        %swap3A_318 = arith.index_cast %swap3A_313 : i32 to index
        %swap3A_319 = arith.index_cast %mul3A_312 : i32 to index
        %swap3A_320 = tpu.vector_load %swap3A_317[%swap3A_318, %swap3A_319] {strides = array<i32>} : memref<1x4096xf32, #tpu.memory_space<vmem>>, vector<16xf32>,
        tpu.vector_store %swap3A_317[%swap3A_318, %swap3A_319], %gather3A {strides = array<i32>} : memref<1x4096xf32, #tpu.memory_space<vmem>>, vector<16xf32>,
        %scan3A_321 = arith.constant 1 : i32
        %scan3A_322 = arith.addi %scan3A_305, %scan3A_321 : i32
        %add3A_323 = arith.constant 256 : i32
        %add3A_324 = arith.addi %add3A_323, %scan3A_322 : i32
        %mul3A_325 = arith.constant 16 : i32
        %mul3A_326 = arith.muli %add3A_324, %mul3A_325 : i32
        %get3A_327 = arith.index_cast %mul3A_326 : i32 to index
        %get3A_328 = tpu.vector_load %arg6[%get3A_327] {strides = array<i32>} : memref<16384xi32, #tpu.memory_space<vmem>>, vector<16xi32>,
        %gather3A_329 = tpu.vector_load_idx %arg5[%broadcast_in_dim3A_1, %get3A_328] : memref<1x100000xf32, #tpu.memory_space<vmem>>[vector<16xi32>, vector<16xi32>], vector<16xf32>,
        %mul3A_330 = arith.constant 16 : i32
        %mul3A_331 = arith.muli %scan3A_322, %mul3A_330 : i32
        %swap3A_332 = arith.constant 1 : i32
        %swap3A_333 = arith.constant 0 : i32
        %swap3A_334 = arith.constant 0 : i32
        %swap3A_335 = arith.constant 0 : i32
        %swap3A_336 = tpu.memref_slice %arg7[%swap3A_332, %swap3A_334, %swap3A_335] : memref<3x1x4096xf32, #tpu.memory_space<vmem>> -> memref<1x1x4096xf32, #tpu.memory_space<vmem>>
        %swap3A_337 = tpu.memref_squeeze %swap3A_336 : memref<1x1x4096xf32, #tpu.memory_space<vmem>> -> memref<1x4096xf32, #tpu.memory_space<vmem>>
        %swap3A_338 = arith.index_cast %swap3A_333 : i32 to index
        %swap3A_339 = arith.index_cast %mul3A_331 : i32 to index
        %swap3A_340 = tpu.vector_load %swap3A_337[%swap3A_338, %swap3A_339] {strides = array<i32>} : memref<1x4096xf32, #tpu.memory_space<vmem>>, vector<16xf32>,
        tpu.vector_store %swap3A_337[%swap3A_338, %swap3A_339], %gather3A_329 {strides = array<i32>} : memref<1x4096xf32, #tpu.memory_space<vmem>>, vector<16xf32>,
        %scan3A_341 = arith.constant 2 : i32
        %scan3A_342 = arith.addi %scan3A_305, %scan3A_341 : i32
        %add3A_343 = arith.constant 256 : i32
        %add3A_344 = arith.addi %add3A_343, %scan3A_342 : i32
        %mul3A_345 = arith.constant 16 : i32
        %mul3A_346 = arith.muli %add3A_344, %mul3A_345 : i32
        %get3A_347 = arith.index_cast %mul3A_346 : i32 to index
        %get3A_348 = tpu.vector_load %arg6[%get3A_347] {strides = array<i32>} : memref<16384xi32, #tpu.memory_space<vmem>>, vector<16xi32>,
        %gather3A_349 = tpu.vector_load_idx %arg5[%broadcast_in_dim3A_1, %get3A_348] : memref<1x100000xf32, #tpu.memory_space<vmem>>[vector<16xi32>, vector<16xi32>], vector<16xf32>,
        %mul3A_350 = arith.constant 16 : i32
        %mul3A_351 = arith.muli %scan3A_342, %mul3A_350 : i32
        %swap3A_352 = arith.constant 1 : i32
        %swap3A_353 = arith.constant 0 : i32
        %swap3A_354 = arith.constant 0 : i32
        %swap3A_355 = arith.constant 0 : i32
        %swap3A_356 = tpu.memref_slice %arg7[%swap3A_352, %swap3A_354, %swap3A_355] : memref<3x1x4096xf32, #tpu.memory_space<vmem>> -> memref<1x1x4096xf32, #tpu.memory_space<vmem>>
        %swap3A_357 = tpu.memref_squeeze %swap3A_356 : memref<1x1x4096xf32, #tpu.memory_space<vmem>> -> memref<1x4096xf32, #tpu.memory_space<vmem>>
        %swap3A_358 = arith.index_cast %swap3A_353 : i32 to index
        %swap3A_359 = arith.index_cast %mul3A_351 : i32 to index
        %swap3A_360 = tpu.vector_load %swap3A_357[%swap3A_358, %swap3A_359] {strides = array<i32>} : memref<1x4096xf32, #tpu.memory_space<vmem>>, vector<16xf32>,
        tpu.vector_store %swap3A_357[%swap3A_358, %swap3A_359], %gather3A_349 {strides = array<i32>} : memref<1x4096xf32, #tpu.memory_space<vmem>>, vector<16xf32>,
        %scan3A_361 = arith.constant 3 : i32
        %scan3A_362 = arith.addi %scan3A_305, %scan3A_361 : i32
        %add3A_363 = arith.constant 256 : i32
        %add3A_364 = arith.addi %add3A_363, %scan3A_362 : i32
        %mul3A_365 = arith.constant 16 : i32
        %mul3A_366 = arith.muli %add3A_364, %mul3A_365 : i32
        %get3A_367 = arith.index_cast %mul3A_366 : i32 to index
        %get3A_368 = tpu.vector_load %arg6[%get3A_367] {strides = array<i32>} : memref<16384xi32, #tpu.memory_space<vmem>>, vector<16xi32>,
        %gather3A_369 = tpu.vector_load_idx %arg5[%broadcast_in_dim3A_1, %get3A_368] : memref<1x100000xf32, #tpu.memory_space<vmem>>[vector<16xi32>, vector<16xi32>], vector<16xf32>,
        %mul3A_370 = arith.constant 16 : i32
        %mul3A_371 = arith.muli %scan3A_362, %mul3A_370 : i32
        %swap3A_372 = arith.constant 1 : i32
        %swap3A_373 = arith.constant 0 : i32
        %swap3A_374 = arith.constant 0 : i32
        %swap3A_375 = arith.constant 0 : i32
        %swap3A_376 = tpu.memref_slice %arg7[%swap3A_372, %swap3A_374, %swap3A_375] : memref<3x1x4096xf32, #tpu.memory_space<vmem>> -> memref<1x1x4096xf32, #tpu.memory_space<vmem>>
        %swap3A_377 = tpu.memref_squeeze %swap3A_376 : memref<1x1x4096xf32, #tpu.memory_space<vmem>> -> memref<1x4096xf32, #tpu.memory_space<vmem>>
        %swap3A_378 = arith.index_cast %swap3A_373 : i32 to index
        %swap3A_379 = arith.index_cast %mul3A_371 : i32 to index
        %swap3A_380 = tpu.vector_load %swap3A_377[%swap3A_378, %swap3A_379] {strides = array<i32>} : memref<1x4096xf32, #tpu.memory_space<vmem>>, vector<16xf32>,
        tpu.vector_store %swap3A_377[%swap3A_378, %swap3A_379], %gather3A_369 {strides = array<i32>} : memref<1x4096xf32, #tpu.memory_space<vmem>>, vector<16xf32>,
        %scan3A_381 = arith.constant 4 : i32
        %scan3A_382 = arith.addi %scan3A_305, %scan3A_381 : i32
        %add3A_383 = arith.constant 256 : i32
        %add3A_384 = arith.addi %add3A_383, %scan3A_382 : i32
        %mul3A_385 = arith.constant 16 : i32
        %mul3A_386 = arith.muli %add3A_384, %mul3A_385 : i32
        %get3A_387 = arith.index_cast %mul3A_386 : i32 to index
        %get3A_388 = tpu.vector_load %arg6[%get3A_387] {strides = array<i32>} : memref<16384xi32, #tpu.memory_space<vmem>>, vector<16xi32>,
        %gather3A_389 = tpu.vector_load_idx %arg5[%broadcast_in_dim3A_1, %get3A_388] : memref<1x100000xf32, #tpu.memory_space<vmem>>[vector<16xi32>, vector<16xi32>], vector<16xf32>,
        %mul3A_390 = arith.constant 16 : i32
        %mul3A_391 = arith.muli %scan3A_382, %mul3A_390 : i32
        %swap3A_392 = arith.constant 1 : i32
        %swap3A_393 = arith.constant 0 : i32
        %swap3A_394 = arith.constant 0 : i32
        %swap3A_395 = arith.constant 0 : i32
        %swap3A_396 = tpu.memref_slice %arg7[%swap3A_392, %swap3A_394, %swap3A_395] : memref<3x1x4096xf32, #tpu.memory_space<vmem>> -> memref<1x1x4096xf32, #tpu.memory_space<vmem>>
        %swap3A_397 = tpu.memref_squeeze %swap3A_396 : memref<1x1x4096xf32, #tpu.memory_space<vmem>> -> memref<1x4096xf32, #tpu.memory_space<vmem>>
        %swap3A_398 = arith.index_cast %swap3A_393 : i32 to index
        %swap3A_399 = arith.index_cast %mul3A_391 : i32 to index
        %swap3A_400 = tpu.vector_load %swap3A_397[%swap3A_398, %swap3A_399] {strides = array<i32>} : memref<1x4096xf32, #tpu.memory_space<vmem>>, vector<16xf32>,
        tpu.vector_store %swap3A_397[%swap3A_398, %swap3A_399], %gather3A_389 {strides = array<i32>} : memref<1x4096xf32, #tpu.memory_space<vmem>>, vector<16xf32>,
        %scan3A_401 = arith.constant 5 : i32
        %scan3A_402 = arith.addi %scan3A_305, %scan3A_401 : i32
        %add3A_403 = arith.constant 256 : i32
        %add3A_404 = arith.addi %add3A_403, %scan3A_402 : i32
        %mul3A_405 = arith.constant 16 : i32
        %mul3A_406 = arith.muli %add3A_404, %mul3A_405 : i32
        %get3A_407 = arith.index_cast %mul3A_406 : i32 to index
        %get3A_408 = tpu.vector_load %arg6[%get3A_407] {strides = array<i32>} : memref<16384xi32, #tpu.memory_space<vmem>>, vector<16xi32>,
        %gather3A_409 = tpu.vector_load_idx %arg5[%broadcast_in_dim3A_1, %get3A_408] : memref<1x100000xf32, #tpu.memory_space<vmem>>[vector<16xi32>, vector<16xi32>], vector<16xf32>,
        %mul3A_410 = arith.constant 16 : i32
        %mul3A_411 = arith.muli %scan3A_402, %mul3A_410 : i32
        %swap3A_412 = arith.constant 1 : i32
        %swap3A_413 = arith.constant 0 : i32
        %swap3A_414 = arith.constant 0 : i32
        %swap3A_415 = arith.constant 0 : i32
        %swap3A_416 = tpu.memref_slice %arg7[%swap3A_412, %swap3A_414, %swap3A_415] : memref<3x1x4096xf32, #tpu.memory_space<vmem>> -> memref<1x1x4096xf32, #tpu.memory_space<vmem>>
        %swap3A_417 = tpu.memref_squeeze %swap3A_416 : memref<1x1x4096xf32, #tpu.memory_space<vmem>> -> memref<1x4096xf32, #tpu.memory_space<vmem>>
        %swap3A_418 = arith.index_cast %swap3A_413 : i32 to index
        %swap3A_419 = arith.index_cast %mul3A_411 : i32 to index
        %swap3A_420 = tpu.vector_load %swap3A_417[%swap3A_418, %swap3A_419] {strides = array<i32>} : memref<1x4096xf32, #tpu.memory_space<vmem>>, vector<16xf32>,
        tpu.vector_store %swap3A_417[%swap3A_418, %swap3A_419], %gather3A_409 {strides = array<i32>} : memref<1x4096xf32, #tpu.memory_space<vmem>>, vector<16xf32>,
        %scan3A_421 = arith.constant 6 : i32
        %scan3A_422 = arith.addi %scan3A_305, %scan3A_421 : i32
        %add3A_423 = arith.constant 256 : i32
        %add3A_424 = arith.addi %add3A_423, %scan3A_422 : i32
        %mul3A_425 = arith.constant 16 : i32
        %mul3A_426 = arith.muli %add3A_424, %mul3A_425 : i32
        %get3A_427 = arith.index_cast %mul3A_426 : i32 to index
        %get3A_428 = tpu.vector_load %arg6[%get3A_427] {strides = array<i32>} : memref<16384xi32, #tpu.memory_space<vmem>>, vector<16xi32>,
        %gather3A_429 = tpu.vector_load_idx %arg5[%broadcast_in_dim3A_1, %get3A_428] : memref<1x100000xf32, #tpu.memory_space<vmem>>[vector<16xi32>, vector<16xi32>], vector<16xf32>,
        %mul3A_430 = arith.constant 16 : i32
        %mul3A_431 = arith.muli %scan3A_422, %mul3A_430 : i32
        %swap3A_432 = arith.constant 1 : i32
        %swap3A_433 = arith.constant 0 : i32
        %swap3A_434 = arith.constant 0 : i32
        %swap3A_435 = arith.constant 0 : i32
        %swap3A_436 = tpu.memref_slice %arg7[%swap3A_432, %swap3A_434, %swap3A_435] : memref<3x1x4096xf32, #tpu.memory_space<vmem>> -> memref<1x1x4096xf32, #tpu.memory_space<vmem>>
        %swap3A_437 = tpu.memref_squeeze %swap3A_436 : memref<1x1x4096xf32, #tpu.memory_space<vmem>> -> memref<1x4096xf32, #tpu.memory_space<vmem>>
        %swap3A_438 = arith.index_cast %swap3A_433 : i32 to index
        %swap3A_439 = arith.index_cast %mul3A_431 : i32 to index
        %swap3A_440 = tpu.vector_load %swap3A_437[%swap3A_438, %swap3A_439] {strides = array<i32>} : memref<1x4096xf32, #tpu.memory_space<vmem>>, vector<16xf32>,
        tpu.vector_store %swap3A_437[%swap3A_438, %swap3A_439], %gather3A_429 {strides = array<i32>} : memref<1x4096xf32, #tpu.memory_space<vmem>>, vector<16xf32>,
        %scan3A_441 = arith.constant 7 : i32
        %scan3A_442 = arith.addi %scan3A_305, %scan3A_441 : i32
        %add3A_443 = arith.constant 256 : i32
        %add3A_444 = arith.addi %add3A_443, %scan3A_442 : i32
        %mul3A_445 = arith.constant 16 : i32
        %mul3A_446 = arith.muli %add3A_444, %mul3A_445 : i32
        %get3A_447 = arith.index_cast %mul3A_446 : i32 to index
        %get3A_448 = tpu.vector_load %arg6[%get3A_447] {strides = array<i32>} : memref<16384xi32, #tpu.memory_space<vmem>>, vector<16xi32>,
        %gather3A_449 = tpu.vector_load_idx %arg5[%broadcast_in_dim3A_1, %get3A_448] : memref<1x100000xf32, #tpu.memory_space<vmem>>[vector<16xi32>, vector<16xi32>], vector<16xf32>,
        %mul3A_450 = arith.constant 16 : i32
        %mul3A_451 = arith.muli %scan3A_442, %mul3A_450 : i32
        %swap3A_452 = arith.constant 1 : i32
        %swap3A_453 = arith.constant 0 : i32
        %swap3A_454 = arith.constant 0 : i32
        %swap3A_455 = arith.constant 0 : i32
        %swap3A_456 = tpu.memref_slice %arg7[%swap3A_452, %swap3A_454, %swap3A_455] : memref<3x1x4096xf32, #tpu.memory_space<vmem>> -> memref<1x1x4096xf32, #tpu.memory_space<vmem>>
        %swap3A_457 = tpu.memref_squeeze %swap3A_456 : memref<1x1x4096xf32, #tpu.memory_space<vmem>> -> memref<1x4096xf32, #tpu.memory_space<vmem>>
        %swap3A_458 = arith.index_cast %swap3A_453 : i32 to index
        %swap3A_459 = arith.index_cast %mul3A_451 : i32 to index
        %swap3A_460 = tpu.vector_load %swap3A_457[%swap3A_458, %swap3A_459] {strides = array<i32>} : memref<1x4096xf32, #tpu.memory_space<vmem>>, vector<16xf32>,
        tpu.vector_store %swap3A_457[%swap3A_458, %swap3A_459], %gather3A_449 {strides = array<i32>} : memref<1x4096xf32, #tpu.memory_space<vmem>>, vector<16xf32>,
      }
      %scan3A_202 = arith.constant 256 : i32
      %add3A_203 = arith.constant 416 : i32
      %add3A_204 = arith.addi %add3A_203, %add3A_118 : i32
      %dma_start3A_205 = arith.constant 1 : i32
      %dma_start3A_206 = arith.constant 1 : i32
      %dma_start3A_207 = arith.constant 0 : i32
      %dma_start3A_208 = arith.constant 0 : i32
      %dma_start3A_209 = tpu.memref_slice %arg7[%dma_start3A_205, %dma_start3A_207, %dma_start3A_208] : memref<3x1x4096xf32, #tpu.memory_space<vmem>> -> memref<1x1x4096xf32, #tpu.memory_space<vmem>>
      %dma_start3A_210 = tpu.memref_squeeze %dma_start3A_209 : memref<1x1x4096xf32, #tpu.memory_space<vmem>> -> memref<1x4096xf32, #tpu.memory_space<vmem>>
      %dma_start3A_211 = arith.constant 4096 : i32
      %dma_start3A_212 = tpu.memref_slice %arg4[%add3A_204, %dma_start3A_211] : memref<1248x16384xf32, #tpu.memory_space<hbm>> -> memref<1x4096xf32, #tpu.memory_space<hbm>>
      %dma_start3A_213 = tpu.memref_slice %arg8[%dma_start3A_206] : memref<3x!tpu.dma_semaphore, #tpu.memory_space<semaphore_mem>> -> memref<1x!tpu.dma_semaphore, #tpu.memory_space<semaphore_mem>>
      %dma_start3A_214 = tpu.memref_squeeze %dma_start3A_213 : memref<1x!tpu.dma_semaphore, #tpu.memory_space<semaphore_mem>> -> memref<!tpu.dma_semaphore, #tpu.memory_space<semaphore_mem>>
      %dma_start3A_215 = arith.constant 4096 : i32
      %dma_start3A_216 = tpu.memref_slice %arg4[%add3A_204, %dma_start3A_215] : memref<1248x16384xf32, #tpu.memory_space<hbm>> -> memref<1x4096xf32, #tpu.memory_space<hbm>>
      %dma_start3A_217 = arith.constant 0 : i32
      %dma_start3A_218 = arith.constant 0 : i32
      %dma_start3A_219 = tpu.memref_slice %arg7[%dma_start3A_205, %dma_start3A_217, %dma_start3A_218] : memref<3x1x4096xf32, #tpu.memory_space<vmem>> -> memref<1x1x4096xf32, #tpu.memory_space<vmem>>
      %dma_start3A_220 = tpu.memref_squeeze %dma_start3A_219 : memref<1x1x4096xf32, #tpu.memory_space<vmem>> -> memref<1x4096xf32, #tpu.memory_space<vmem>>
      tpu.enqueue_dma source(%dma_start3A_220 : memref<1x4096xf32, #tpu.memory_space<vmem>>) target(%dma_start3A_216 : memref<1x4096xf32, #tpu.memory_space<hbm>>) target_semaphore(%dma_start3A_214 : memref<!tpu.dma_semaphore, #tpu.memory_space<semaphore_mem>>)
      %dma_wait3A_221 = arith.constant 2 : i32
      %dma_wait3A_222 = arith.constant 2 : i32
      %dma_wait3A_223 = arith.constant 0 : i32
      %dma_wait3A_224 = arith.constant 0 : i32
      %dma_wait3A_225 = tpu.memref_slice %arg7[%dma_wait3A_221, %dma_wait3A_223, %dma_wait3A_224] : memref<3x1x4096xf32, #tpu.memory_space<vmem>> -> memref<1x1x4096xf32, #tpu.memory_space<vmem>>
      %dma_wait3A_226 = tpu.memref_squeeze %dma_wait3A_225 : memref<1x1x4096xf32, #tpu.memory_space<vmem>> -> memref<1x4096xf32, #tpu.memory_space<vmem>>
      %dma_wait3A_227 = arith.constant 0 : i32
      %dma_wait3A_228 = arith.constant 0 : i32
      %dma_wait3A_229 = tpu.memref_slice %arg2[%dma_wait3A_227, %dma_wait3A_228] : memref<832x100000xf32, #tpu.memory_space<hbm>> -> memref<1x4096xf32, #tpu.memory_space<hbm>>
      %dma_wait3A_230 = tpu.memref_slice %arg8[%dma_wait3A_222] : memref<3x!tpu.dma_semaphore, #tpu.memory_space<semaphore_mem>> -> memref<1x!tpu.dma_semaphore, #tpu.memory_space<semaphore_mem>>
      %dma_wait3A_231 = tpu.memref_squeeze %dma_wait3A_230 : memref<1x!tpu.dma_semaphore, #tpu.memory_space<semaphore_mem>> -> memref<!tpu.dma_semaphore, #tpu.memory_space<semaphore_mem>>
      %dma_wait3A_232 = arith.constant 0 : i32
      %dma_wait3A_233 = arith.constant 0 : i32
      %dma_wait3A_234 = tpu.memref_slice %arg7[%dma_wait3A_221, %dma_wait3A_232, %dma_wait3A_233] : memref<3x1x4096xf32, #tpu.memory_space<vmem>> -> memref<1x1x4096xf32, #tpu.memory_space<vmem>>
      %dma_wait3A_235 = tpu.memref_squeeze %dma_wait3A_234 : memref<1x1x4096xf32, #tpu.memory_space<vmem>> -> memref<1x4096xf32, #tpu.memory_space<vmem>>
      %dma_wait3A_236 = arith.constant 0 : i32
      %dma_wait3A_237 = arith.constant 0 : i32
      %dma_wait3A_238 = tpu.memref_slice %arg2[%dma_wait3A_236, %dma_wait3A_237] : memref<832x100000xf32, #tpu.memory_space<hbm>> -> memref<1x4096xf32, #tpu.memory_space<hbm>>
      tpu.wait_dma2 semaphore(%dma_wait3A_231 : memref<!tpu.dma_semaphore, #tpu.memory_space<semaphore_mem>>) src(%dma_wait3A_238 : memref<1x4096xf32, #tpu.memory_space<hbm>>) dst(%dma_wait3A_235 : memref<1x4096xf32, #tpu.memory_space<vmem>>)
      %scan3A_239 = arith.constant 0 : i32
      %scan3A_240 = arith.constant 0 : i32
      %scan3A_241 = arith.constant 256 : i32
      %scan3A_242 = arith.addi %scan3A_240, %scan3A_241 : i32
      %scan3A_243 = arith.constant 8 : i32
      scf.for %scan3A_305 = %scan3A_240 to %scan3A_242 step %scan3A_243  : i32 {
        %add3A_306 = arith.constant 512 : i32
        %add3A_307 = arith.addi %add3A_306, %scan3A_305 : i32
        %mul3A_308 = arith.constant 16 : i32
        %mul3A_309 = arith.muli %add3A_307, %mul3A_308 : i32
        %get3A = arith.index_cast %mul3A_309 : i32 to index
        %get3A_310 = tpu.vector_load %arg6[%get3A] {strides = array<i32>} : memref<16384xi32, #tpu.memory_space<vmem>>, vector<16xi32>,
        %gather3A = tpu.vector_load_idx %arg5[%broadcast_in_dim3A_1, %get3A_310] : memref<1x100000xf32, #tpu.memory_space<vmem>>[vector<16xi32>, vector<16xi32>], vector<16xf32>,
        %mul3A_311 = arith.constant 16 : i32
        %mul3A_312 = arith.muli %scan3A_305, %mul3A_311 : i32
        %swap3A = arith.constant 2 : i32
        %swap3A_313 = arith.constant 0 : i32
        %swap3A_314 = arith.constant 0 : i32
        %swap3A_315 = arith.constant 0 : i32
        %swap3A_316 = tpu.memref_slice %arg7[%swap3A, %swap3A_314, %swap3A_315] : memref<3x1x4096xf32, #tpu.memory_space<vmem>> -> memref<1x1x4096xf32, #tpu.memory_space<vmem>>
        %swap3A_317 = tpu.memref_squeeze %swap3A_316 : memref<1x1x4096xf32, #tpu.memory_space<vmem>> -> memref<1x4096xf32, #tpu.memory_space<vmem>>
        %swap3A_318 = arith.index_cast %swap3A_313 : i32 to index
        %swap3A_319 = arith.index_cast %mul3A_312 : i32 to index
        %swap3A_320 = tpu.vector_load %swap3A_317[%swap3A_318, %swap3A_319] {strides = array<i32>} : memref<1x4096xf32, #tpu.memory_space<vmem>>, vector<16xf32>,
        tpu.vector_store %swap3A_317[%swap3A_318, %swap3A_319], %gather3A {strides = array<i32>} : memref<1x4096xf32, #tpu.memory_space<vmem>>, vector<16xf32>,
        %scan3A_321 = arith.constant 1 : i32
        %scan3A_322 = arith.addi %scan3A_305, %scan3A_321 : i32
        %add3A_323 = arith.constant 512 : i32
        %add3A_324 = arith.addi %add3A_323, %scan3A_322 : i32
        %mul3A_325 = arith.constant 16 : i32
        %mul3A_326 = arith.muli %add3A_324, %mul3A_325 : i32
        %get3A_327 = arith.index_cast %mul3A_326 : i32 to index
        %get3A_328 = tpu.vector_load %arg6[%get3A_327] {strides = array<i32>} : memref<16384xi32, #tpu.memory_space<vmem>>, vector<16xi32>,
        %gather3A_329 = tpu.vector_load_idx %arg5[%broadcast_in_dim3A_1, %get3A_328] : memref<1x100000xf32, #tpu.memory_space<vmem>>[vector<16xi32>, vector<16xi32>], vector<16xf32>,
        %mul3A_330 = arith.constant 16 : i32
        %mul3A_331 = arith.muli %scan3A_322, %mul3A_330 : i32
        %swap3A_332 = arith.constant 2 : i32
        %swap3A_333 = arith.constant 0 : i32
        %swap3A_334 = arith.constant 0 : i32
        %swap3A_335 = arith.constant 0 : i32
        %swap3A_336 = tpu.memref_slice %arg7[%swap3A_332, %swap3A_334, %swap3A_335] : memref<3x1x4096xf32, #tpu.memory_space<vmem>> -> memref<1x1x4096xf32, #tpu.memory_space<vmem>>
        %swap3A_337 = tpu.memref_squeeze %swap3A_336 : memref<1x1x4096xf32, #tpu.memory_space<vmem>> -> memref<1x4096xf32, #tpu.memory_space<vmem>>
        %swap3A_338 = arith.index_cast %swap3A_333 : i32 to index
        %swap3A_339 = arith.index_cast %mul3A_331 : i32 to index
        %swap3A_340 = tpu.vector_load %swap3A_337[%swap3A_338, %swap3A_339] {strides = array<i32>} : memref<1x4096xf32, #tpu.memory_space<vmem>>, vector<16xf32>,
        tpu.vector_store %swap3A_337[%swap3A_338, %swap3A_339], %gather3A_329 {strides = array<i32>} : memref<1x4096xf32, #tpu.memory_space<vmem>>, vector<16xf32>,
        %scan3A_341 = arith.constant 2 : i32
        %scan3A_342 = arith.addi %scan3A_305, %scan3A_341 : i32
        %add3A_343 = arith.constant 512 : i32
        %add3A_344 = arith.addi %add3A_343, %scan3A_342 : i32
        %mul3A_345 = arith.constant 16 : i32
        %mul3A_346 = arith.muli %add3A_344, %mul3A_345 : i32
        %get3A_347 = arith.index_cast %mul3A_346 : i32 to index
        %get3A_348 = tpu.vector_load %arg6[%get3A_347] {strides = array<i32>} : memref<16384xi32, #tpu.memory_space<vmem>>, vector<16xi32>,
        %gather3A_349 = tpu.vector_load_idx %arg5[%broadcast_in_dim3A_1, %get3A_348] : memref<1x100000xf32, #tpu.memory_space<vmem>>[vector<16xi32>, vector<16xi32>], vector<16xf32>,
        %mul3A_350 = arith.constant 16 : i32
        %mul3A_351 = arith.muli %scan3A_342, %mul3A_350 : i32
        %swap3A_352 = arith.constant 2 : i32
        %swap3A_353 = arith.constant 0 : i32
        %swap3A_354 = arith.constant 0 : i32
        %swap3A_355 = arith.constant 0 : i32
        %swap3A_356 = tpu.memref_slice %arg7[%swap3A_352, %swap3A_354, %swap3A_355] : memref<3x1x4096xf32, #tpu.memory_space<vmem>> -> memref<1x1x4096xf32, #tpu.memory_space<vmem>>
        %swap3A_357 = tpu.memref_squeeze %swap3A_356 : memref<1x1x4096xf32, #tpu.memory_space<vmem>> -> memref<1x4096xf32, #tpu.memory_space<vmem>>
        %swap3A_358 = arith.index_cast %swap3A_353 : i32 to index
        %swap3A_359 = arith.index_cast %mul3A_351 : i32 to index
        %swap3A_360 = tpu.vector_load %swap3A_357[%swap3A_358, %swap3A_359] {strides = array<i32>} : memref<1x4096xf32, #tpu.memory_space<vmem>>, vector<16xf32>,
        tpu.vector_store %swap3A_357[%swap3A_358, %swap3A_359], %gather3A_349 {strides = array<i32>} : memref<1x4096xf32, #tpu.memory_space<vmem>>, vector<16xf32>,
        %scan3A_361 = arith.constant 3 : i32
        %scan3A_362 = arith.addi %scan3A_305, %scan3A_361 : i32
        %add3A_363 = arith.constant 512 : i32
        %add3A_364 = arith.addi %add3A_363, %scan3A_362 : i32
        %mul3A_365 = arith.constant 16 : i32
        %mul3A_366 = arith.muli %add3A_364, %mul3A_365 : i32
        %get3A_367 = arith.index_cast %mul3A_366 : i32 to index
        %get3A_368 = tpu.vector_load %arg6[%get3A_367] {strides = array<i32>} : memref<16384xi32, #tpu.memory_space<vmem>>, vector<16xi32>,
        %gather3A_369 = tpu.vector_load_idx %arg5[%broadcast_in_dim3A_1, %get3A_368] : memref<1x100000xf32, #tpu.memory_space<vmem>>[vector<16xi32>, vector<16xi32>], vector<16xf32>,
        %mul3A_370 = arith.constant 16 : i32
        %mul3A_371 = arith.muli %scan3A_362, %mul3A_370 : i32
        %swap3A_372 = arith.constant 2 : i32
        %swap3A_373 = arith.constant 0 : i32
        %swap3A_374 = arith.constant 0 : i32
        %swap3A_375 = arith.constant 0 : i32
        %swap3A_376 = tpu.memref_slice %arg7[%swap3A_372, %swap3A_374, %swap3A_375] : memref<3x1x4096xf32, #tpu.memory_space<vmem>> -> memref<1x1x4096xf32, #tpu.memory_space<vmem>>
        %swap3A_377 = tpu.memref_squeeze %swap3A_376 : memref<1x1x4096xf32, #tpu.memory_space<vmem>> -> memref<1x4096xf32, #tpu.memory_space<vmem>>
        %swap3A_378 = arith.index_cast %swap3A_373 : i32 to index
        %swap3A_379 = arith.index_cast %mul3A_371 : i32 to index
        %swap3A_380 = tpu.vector_load %swap3A_377[%swap3A_378, %swap3A_379] {strides = array<i32>} : memref<1x4096xf32, #tpu.memory_space<vmem>>, vector<16xf32>,
        tpu.vector_store %swap3A_377[%swap3A_378, %swap3A_379], %gather3A_369 {strides = array<i32>} : memref<1x4096xf32, #tpu.memory_space<vmem>>, vector<16xf32>,
        %scan3A_381 = arith.constant 4 : i32
        %scan3A_382 = arith.addi %scan3A_305, %scan3A_381 : i32
        %add3A_383 = arith.constant 512 : i32
        %add3A_384 = arith.addi %add3A_383, %scan3A_382 : i32
        %mul3A_385 = arith.constant 16 : i32
        %mul3A_386 = arith.muli %add3A_384, %mul3A_385 : i32
        %get3A_387 = arith.index_cast %mul3A_386 : i32 to index
        %get3A_388 = tpu.vector_load %arg6[%get3A_387] {strides = array<i32>} : memref<16384xi32, #tpu.memory_space<vmem>>, vector<16xi32>,
        %gather3A_389 = tpu.vector_load_idx %arg5[%broadcast_in_dim3A_1, %get3A_388] : memref<1x100000xf32, #tpu.memory_space<vmem>>[vector<16xi32>, vector<16xi32>], vector<16xf32>,
        %mul3A_390 = arith.constant 16 : i32
        %mul3A_391 = arith.muli %scan3A_382, %mul3A_390 : i32
        %swap3A_392 = arith.constant 2 : i32
        %swap3A_393 = arith.constant 0 : i32
        %swap3A_394 = arith.constant 0 : i32
        %swap3A_395 = arith.constant 0 : i32
        %swap3A_396 = tpu.memref_slice %arg7[%swap3A_392, %swap3A_394, %swap3A_395] : memref<3x1x4096xf32, #tpu.memory_space<vmem>> -> memref<1x1x4096xf32, #tpu.memory_space<vmem>>
        %swap3A_397 = tpu.memref_squeeze %swap3A_396 : memref<1x1x4096xf32, #tpu.memory_space<vmem>> -> memref<1x4096xf32, #tpu.memory_space<vmem>>
        %swap3A_398 = arith.index_cast %swap3A_393 : i32 to index
        %swap3A_399 = arith.index_cast %mul3A_391 : i32 to index
        %swap3A_400 = tpu.vector_load %swap3A_397[%swap3A_398, %swap3A_399] {strides = array<i32>} : memref<1x4096xf32, #tpu.memory_space<vmem>>, vector<16xf32>,
        tpu.vector_store %swap3A_397[%swap3A_398, %swap3A_399], %gather3A_389 {strides = array<i32>} : memref<1x4096xf32, #tpu.memory_space<vmem>>, vector<16xf32>,
        %scan3A_401 = arith.constant 5 : i32
        %scan3A_402 = arith.addi %scan3A_305, %scan3A_401 : i32
        %add3A_403 = arith.constant 512 : i32
        %add3A_404 = arith.addi %add3A_403, %scan3A_402 : i32
        %mul3A_405 = arith.constant 16 : i32
        %mul3A_406 = arith.muli %add3A_404, %mul3A_405 : i32
        %get3A_407 = arith.index_cast %mul3A_406 : i32 to index
        %get3A_408 = tpu.vector_load %arg6[%get3A_407] {strides = array<i32>} : memref<16384xi32, #tpu.memory_space<vmem>>, vector<16xi32>,
        %gather3A_409 = tpu.vector_load_idx %arg5[%broadcast_in_dim3A_1, %get3A_408] : memref<1x100000xf32, #tpu.memory_space<vmem>>[vector<16xi32>, vector<16xi32>], vector<16xf32>,
        %mul3A_410 = arith.constant 16 : i32
        %mul3A_411 = arith.muli %scan3A_402, %mul3A_410 : i32
        %swap3A_412 = arith.constant 2 : i32
        %swap3A_413 = arith.constant 0 : i32
        %swap3A_414 = arith.constant 0 : i32
        %swap3A_415 = arith.constant 0 : i32
        %swap3A_416 = tpu.memref_slice %arg7[%swap3A_412, %swap3A_414, %swap3A_415] : memref<3x1x4096xf32, #tpu.memory_space<vmem>> -> memref<1x1x4096xf32, #tpu.memory_space<vmem>>
        %swap3A_417 = tpu.memref_squeeze %swap3A_416 : memref<1x1x4096xf32, #tpu.memory_space<vmem>> -> memref<1x4096xf32, #tpu.memory_space<vmem>>
        %swap3A_418 = arith.index_cast %swap3A_413 : i32 to index
        %swap3A_419 = arith.index_cast %mul3A_411 : i32 to index
        %swap3A_420 = tpu.vector_load %swap3A_417[%swap3A_418, %swap3A_419] {strides = array<i32>} : memref<1x4096xf32, #tpu.memory_space<vmem>>, vector<16xf32>,
        tpu.vector_store %swap3A_417[%swap3A_418, %swap3A_419], %gather3A_409 {strides = array<i32>} : memref<1x4096xf32, #tpu.memory_space<vmem>>, vector<16xf32>,
        %scan3A_421 = arith.constant 6 : i32
        %scan3A_422 = arith.addi %scan3A_305, %scan3A_421 : i32
        %add3A_423 = arith.constant 512 : i32
        %add3A_424 = arith.addi %add3A_423, %scan3A_422 : i32
        %mul3A_425 = arith.constant 16 : i32
        %mul3A_426 = arith.muli %add3A_424, %mul3A_425 : i32
        %get3A_427 = arith.index_cast %mul3A_426 : i32 to index
        %get3A_428 = tpu.vector_load %arg6[%get3A_427] {strides = array<i32>} : memref<16384xi32, #tpu.memory_space<vmem>>, vector<16xi32>,
        %gather3A_429 = tpu.vector_load_idx %arg5[%broadcast_in_dim3A_1, %get3A_428] : memref<1x100000xf32, #tpu.memory_space<vmem>>[vector<16xi32>, vector<16xi32>], vector<16xf32>,
        %mul3A_430 = arith.constant 16 : i32
        %mul3A_431 = arith.muli %scan3A_422, %mul3A_430 : i32
        %swap3A_432 = arith.constant 2 : i32
        %swap3A_433 = arith.constant 0 : i32
        %swap3A_434 = arith.constant 0 : i32
        %swap3A_435 = arith.constant 0 : i32
        %swap3A_436 = tpu.memref_slice %arg7[%swap3A_432, %swap3A_434, %swap3A_435] : memref<3x1x4096xf32, #tpu.memory_space<vmem>> -> memref<1x1x4096xf32, #tpu.memory_space<vmem>>
        %swap3A_437 = tpu.memref_squeeze %swap3A_436 : memref<1x1x4096xf32, #tpu.memory_space<vmem>> -> memref<1x4096xf32, #tpu.memory_space<vmem>>
        %swap3A_438 = arith.index_cast %swap3A_433 : i32 to index
        %swap3A_439 = arith.index_cast %mul3A_431 : i32 to index
        %swap3A_440 = tpu.vector_load %swap3A_437[%swap3A_438, %swap3A_439] {strides = array<i32>} : memref<1x4096xf32, #tpu.memory_space<vmem>>, vector<16xf32>,
        tpu.vector_store %swap3A_437[%swap3A_438, %swap3A_439], %gather3A_429 {strides = array<i32>} : memref<1x4096xf32, #tpu.memory_space<vmem>>, vector<16xf32>,
        %scan3A_441 = arith.constant 7 : i32
        %scan3A_442 = arith.addi %scan3A_305, %scan3A_441 : i32
        %add3A_443 = arith.constant 512 : i32
        %add3A_444 = arith.addi %add3A_443, %scan3A_442 : i32
        %mul3A_445 = arith.constant 16 : i32
        %mul3A_446 = arith.muli %add3A_444, %mul3A_445 : i32
        %get3A_447 = arith.index_cast %mul3A_446 : i32 to index
        %get3A_448 = tpu.vector_load %arg6[%get3A_447] {strides = array<i32>} : memref<16384xi32, #tpu.memory_space<vmem>>, vector<16xi32>,
        %gather3A_449 = tpu.vector_load_idx %arg5[%broadcast_in_dim3A_1, %get3A_448] : memref<1x100000xf32, #tpu.memory_space<vmem>>[vector<16xi32>, vector<16xi32>], vector<16xf32>,
        %mul3A_450 = arith.constant 16 : i32
        %mul3A_451 = arith.muli %scan3A_442, %mul3A_450 : i32
        %swap3A_452 = arith.constant 2 : i32
        %swap3A_453 = arith.constant 0 : i32
        %swap3A_454 = arith.constant 0 : i32
        %swap3A_455 = arith.constant 0 : i32
        %swap3A_456 = tpu.memref_slice %arg7[%swap3A_452, %swap3A_454, %swap3A_455] : memref<3x1x4096xf32, #tpu.memory_space<vmem>> -> memref<1x1x4096xf32, #tpu.memory_space<vmem>>
        %swap3A_457 = tpu.memref_squeeze %swap3A_456 : memref<1x1x4096xf32, #tpu.memory_space<vmem>> -> memref<1x4096xf32, #tpu.memory_space<vmem>>
        %swap3A_458 = arith.index_cast %swap3A_453 : i32 to index
        %swap3A_459 = arith.index_cast %mul3A_451 : i32 to index
        %swap3A_460 = tpu.vector_load %swap3A_457[%swap3A_458, %swap3A_459] {strides = array<i32>} : memref<1x4096xf32, #tpu.memory_space<vmem>>, vector<16xf32>,
        tpu.vector_store %swap3A_457[%swap3A_458, %swap3A_459], %gather3A_449 {strides = array<i32>} : memref<1x4096xf32, #tpu.memory_space<vmem>>, vector<16xf32>,
      }
      %scan3A_244 = arith.constant 256 : i32
      %add3A_245 = arith.constant 416 : i32
      %add3A_246 = arith.addi %add3A_245, %add3A_118 : i32
      %dma_start3A_247 = arith.constant 2 : i32
      %dma_start3A_248 = arith.constant 2 : i32
      %dma_start3A_249 = arith.constant 0 : i32
      %dma_start3A_250 = arith.constant 0 : i32
      %dma_start3A_251 = tpu.memref_slice %arg7[%dma_start3A_247, %dma_start3A_249, %dma_start3A_250] : memref<3x1x4096xf32, #tpu.memory_space<vmem>> -> memref<1x1x4096xf32, #tpu.memory_space<vmem>>
      %dma_start3A_252 = tpu.memref_squeeze %dma_start3A_251 : memref<1x1x4096xf32, #tpu.memory_space<vmem>> -> memref<1x4096xf32, #tpu.memory_space<vmem>>
      %dma_start3A_253 = arith.constant 8192 : i32
      %dma_start3A_254 = tpu.memref_slice %arg4[%add3A_246, %dma_start3A_253] : memref<1248x16384xf32, #tpu.memory_space<hbm>> -> memref<1x4096xf32, #tpu.memory_space<hbm>>
      %dma_start3A_255 = tpu.memref_slice %arg8[%dma_start3A_248] : memref<3x!tpu.dma_semaphore, #tpu.memory_space<semaphore_mem>> -> memref<1x!tpu.dma_semaphore, #tpu.memory_space<semaphore_mem>>
      %dma_start3A_256 = tpu.memref_squeeze %dma_start3A_255 : memref<1x!tpu.dma_semaphore, #tpu.memory_space<semaphore_mem>> -> memref<!tpu.dma_semaphore, #tpu.memory_space<semaphore_mem>>
      %dma_start3A_257 = arith.constant 8192 : i32
      %dma_start3A_258 = tpu.memref_slice %arg4[%add3A_246, %dma_start3A_257] : memref<1248x16384xf32, #tpu.memory_space<hbm>> -> memref<1x4096xf32, #tpu.memory_space<hbm>>
      %dma_start3A_259 = arith.constant 0 : i32
      %dma_start3A_260 = arith.constant 0 : i32
      %dma_start3A_261 = tpu.memref_slice %arg7[%dma_start3A_247, %dma_start3A_259, %dma_start3A_260] : memref<3x1x4096xf32, #tpu.memory_space<vmem>> -> memref<1x1x4096xf32, #tpu.memory_space<vmem>>
      %dma_start3A_262 = tpu.memref_squeeze %dma_start3A_261 : memref<1x1x4096xf32, #tpu.memory_space<vmem>> -> memref<1x4096xf32, #tpu.memory_space<vmem>>
      tpu.enqueue_dma source(%dma_start3A_262 : memref<1x4096xf32, #tpu.memory_space<vmem>>) target(%dma_start3A_258 : memref<1x4096xf32, #tpu.memory_space<hbm>>) target_semaphore(%dma_start3A_256 : memref<!tpu.dma_semaphore, #tpu.memory_space<semaphore_mem>>)
      %dma_wait3A_263 = arith.constant 0 : i32
      %dma_wait3A_264 = arith.constant 0 : i32
      %dma_wait3A_265 = arith.constant 0 : i32
      %dma_wait3A_266 = arith.constant 0 : i32
      %dma_wait3A_267 = tpu.memref_slice %arg7[%dma_wait3A_263, %dma_wait3A_265, %dma_wait3A_266] : memref<3x1x4096xf32, #tpu.memory_space<vmem>> -> memref<1x1x4096xf32, #tpu.memory_space<vmem>>
      %dma_wait3A_268 = tpu.memref_squeeze %dma_wait3A_267 : memref<1x1x4096xf32, #tpu.memory_space<vmem>> -> memref<1x4096xf32, #tpu.memory_space<vmem>>
      %dma_wait3A_269 = arith.constant 0 : i32
      %dma_wait3A_270 = arith.constant 0 : i32
      %dma_wait3A_271 = tpu.memref_slice %arg2[%dma_wait3A_269, %dma_wait3A_270] : memref<832x100000xf32, #tpu.memory_space<hbm>> -> memref<1x4096xf32, #tpu.memory_space<hbm>>
      %dma_wait3A_272 = tpu.memref_slice %arg8[%dma_wait3A_264] : memref<3x!tpu.dma_semaphore, #tpu.memory_space<semaphore_mem>> -> memref<1x!tpu.dma_semaphore, #tpu.memory_space<semaphore_mem>>
      %dma_wait3A_273 = tpu.memref_squeeze %dma_wait3A_272 : memref<1x!tpu.dma_semaphore, #tpu.memory_space<semaphore_mem>> -> memref<!tpu.dma_semaphore, #tpu.memory_space<semaphore_mem>>
      %dma_wait3A_274 = arith.constant 0 : i32
      %dma_wait3A_275 = arith.constant 0 : i32
      %dma_wait3A_276 = tpu.memref_slice %arg7[%dma_wait3A_263, %dma_wait3A_274, %dma_wait3A_275] : memref<3x1x4096xf32, #tpu.memory_space<vmem>> -> memref<1x1x4096xf32, #tpu.memory_space<vmem>>
      %dma_wait3A_277 = tpu.memref_squeeze %dma_wait3A_276 : memref<1x1x4096xf32, #tpu.memory_space<vmem>> -> memref<1x4096xf32, #tpu.memory_space<vmem>>
      %dma_wait3A_278 = arith.constant 0 : i32
      %dma_wait3A_279 = arith.constant 0 : i32
      %dma_wait3A_280 = tpu.memref_slice %arg2[%dma_wait3A_278, %dma_wait3A_279] : memref<832x100000xf32, #tpu.memory_space<hbm>> -> memref<1x4096xf32, #tpu.memory_space<hbm>>
      tpu.wait_dma2 semaphore(%dma_wait3A_273 : memref<!tpu.dma_semaphore, #tpu.memory_space<semaphore_mem>>) src(%dma_wait3A_280 : memref<1x4096xf32, #tpu.memory_space<hbm>>) dst(%dma_wait3A_277 : memref<1x4096xf32, #tpu.memory_space<vmem>>)
      %scan3A_281 = arith.constant 0 : i32
      %scan3A_282 = arith.constant 0 : i32
      %scan3A_283 = arith.constant 256 : i32
      %scan3A_284 = arith.addi %scan3A_282, %scan3A_283 : i32
      %scan3A_285 = arith.constant 8 : i32
      scf.for %scan3A_305 = %scan3A_282 to %scan3A_284 step %scan3A_285  : i32 {
        %add3A_306 = arith.constant 768 : i32
        %add3A_307 = arith.addi %add3A_306, %scan3A_305 : i32
        %mul3A_308 = arith.constant 16 : i32
        %mul3A_309 = arith.muli %add3A_307, %mul3A_308 : i32
        %get3A = arith.index_cast %mul3A_309 : i32 to index
        %get3A_310 = tpu.vector_load %arg6[%get3A] {strides = array<i32>} : memref<16384xi32, #tpu.memory_space<vmem>>, vector<16xi32>,
        %gather3A = tpu.vector_load_idx %arg5[%broadcast_in_dim3A_1, %get3A_310] : memref<1x100000xf32, #tpu.memory_space<vmem>>[vector<16xi32>, vector<16xi32>], vector<16xf32>,
        %mul3A_311 = arith.constant 16 : i32
        %mul3A_312 = arith.muli %scan3A_305, %mul3A_311 : i32
        %swap3A = arith.constant 0 : i32
        %swap3A_313 = arith.constant 0 : i32
        %swap3A_314 = arith.constant 0 : i32
        %swap3A_315 = arith.constant 0 : i32
        %swap3A_316 = tpu.memref_slice %arg7[%swap3A, %swap3A_314, %swap3A_315] : memref<3x1x4096xf32, #tpu.memory_space<vmem>> -> memref<1x1x4096xf32, #tpu.memory_space<vmem>>
        %swap3A_317 = tpu.memref_squeeze %swap3A_316 : memref<1x1x4096xf32, #tpu.memory_space<vmem>> -> memref<1x4096xf32, #tpu.memory_space<vmem>>
        %swap3A_318 = arith.index_cast %swap3A_313 : i32 to index
        %swap3A_319 = arith.index_cast %mul3A_312 : i32 to index
        %swap3A_320 = tpu.vector_load %swap3A_317[%swap3A_318, %swap3A_319] {strides = array<i32>} : memref<1x4096xf32, #tpu.memory_space<vmem>>, vector<16xf32>,
        tpu.vector_store %swap3A_317[%swap3A_318, %swap3A_319], %gather3A {strides = array<i32>} : memref<1x4096xf32, #tpu.memory_space<vmem>>, vector<16xf32>,
        %scan3A_321 = arith.constant 1 : i32
        %scan3A_322 = arith.addi %scan3A_305, %scan3A_321 : i32
        %add3A_323 = arith.constant 768 : i32
        %add3A_324 = arith.addi %add3A_323, %scan3A_322 : i32
        %mul3A_325 = arith.constant 16 : i32
        %mul3A_326 = arith.muli %add3A_324, %mul3A_325 : i32
        %get3A_327 = arith.index_cast %mul3A_326 : i32 to index
        %get3A_328 = tpu.vector_load %arg6[%get3A_327] {strides = array<i32>} : memref<16384xi32, #tpu.memory_space<vmem>>, vector<16xi32>,
        %gather3A_329 = tpu.vector_load_idx %arg5[%broadcast_in_dim3A_1, %get3A_328] : memref<1x100000xf32, #tpu.memory_space<vmem>>[vector<16xi32>, vector<16xi32>], vector<16xf32>,
        %mul3A_330 = arith.constant 16 : i32
        %mul3A_331 = arith.muli %scan3A_322, %mul3A_330 : i32
        %swap3A_332 = arith.constant 0 : i32
        %swap3A_333 = arith.constant 0 : i32
        %swap3A_334 = arith.constant 0 : i32
        %swap3A_335 = arith.constant 0 : i32
        %swap3A_336 = tpu.memref_slice %arg7[%swap3A_332, %swap3A_334, %swap3A_335] : memref<3x1x4096xf32, #tpu.memory_space<vmem>> -> memref<1x1x4096xf32, #tpu.memory_space<vmem>>
        %swap3A_337 = tpu.memref_squeeze %swap3A_336 : memref<1x1x4096xf32, #tpu.memory_space<vmem>> -> memref<1x4096xf32, #tpu.memory_space<vmem>>
        %swap3A_338 = arith.index_cast %swap3A_333 : i32 to index
        %swap3A_339 = arith.index_cast %mul3A_331 : i32 to index
        %swap3A_340 = tpu.vector_load %swap3A_337[%swap3A_338, %swap3A_339] {strides = array<i32>} : memref<1x4096xf32, #tpu.memory_space<vmem>>, vector<16xf32>,
        tpu.vector_store %swap3A_337[%swap3A_338, %swap3A_339], %gather3A_329 {strides = array<i32>} : memref<1x4096xf32, #tpu.memory_space<vmem>>, vector<16xf32>,
        %scan3A_341 = arith.constant 2 : i32
        %scan3A_342 = arith.addi %scan3A_305, %scan3A_341 : i32
        %add3A_343 = arith.constant 768 : i32
        %add3A_344 = arith.addi %add3A_343, %scan3A_342 : i32
        %mul3A_345 = arith.constant 16 : i32
        %mul3A_346 = arith.muli %add3A_344, %mul3A_345 : i32
        %get3A_347 = arith.index_cast %mul3A_346 : i32 to index
        %get3A_348 = tpu.vector_load %arg6[%get3A_347] {strides = array<i32>} : memref<16384xi32, #tpu.memory_space<vmem>>, vector<16xi32>,
        %gather3A_349 = tpu.vector_load_idx %arg5[%broadcast_in_dim3A_1, %get3A_348] : memref<1x100000xf32, #tpu.memory_space<vmem>>[vector<16xi32>, vector<16xi32>], vector<16xf32>,
        %mul3A_350 = arith.constant 16 : i32
        %mul3A_351 = arith.muli %scan3A_342, %mul3A_350 : i32
        %swap3A_352 = arith.constant 0 : i32
        %swap3A_353 = arith.constant 0 : i32
        %swap3A_354 = arith.constant 0 : i32
        %swap3A_355 = arith.constant 0 : i32
        %swap3A_356 = tpu.memref_slice %arg7[%swap3A_352, %swap3A_354, %swap3A_355] : memref<3x1x4096xf32, #tpu.memory_space<vmem>> -> memref<1x1x4096xf32, #tpu.memory_space<vmem>>
        %swap3A_357 = tpu.memref_squeeze %swap3A_356 : memref<1x1x4096xf32, #tpu.memory_space<vmem>> -> memref<1x4096xf32, #tpu.memory_space<vmem>>
        %swap3A_358 = arith.index_cast %swap3A_353 : i32 to index
        %swap3A_359 = arith.index_cast %mul3A_351 : i32 to index
        %swap3A_360 = tpu.vector_load %swap3A_357[%swap3A_358, %swap3A_359] {strides = array<i32>} : memref<1x4096xf32, #tpu.memory_space<vmem>>, vector<16xf32>,
        tpu.vector_store %swap3A_357[%swap3A_358, %swap3A_359], %gather3A_349 {strides = array<i32>} : memref<1x4096xf32, #tpu.memory_space<vmem>>, vector<16xf32>,
        %scan3A_361 = arith.constant 3 : i32
        %scan3A_362 = arith.addi %scan3A_305, %scan3A_361 : i32
        %add3A_363 = arith.constant 768 : i32
        %add3A_364 = arith.addi %add3A_363, %scan3A_362 : i32
        %mul3A_365 = arith.constant 16 : i32
        %mul3A_366 = arith.muli %add3A_364, %mul3A_365 : i32
        %get3A_367 = arith.index_cast %mul3A_366 : i32 to index
        %get3A_368 = tpu.vector_load %arg6[%get3A_367] {strides = array<i32>} : memref<16384xi32, #tpu.memory_space<vmem>>, vector<16xi32>,
        %gather3A_369 = tpu.vector_load_idx %arg5[%broadcast_in_dim3A_1, %get3A_368] : memref<1x100000xf32, #tpu.memory_space<vmem>>[vector<16xi32>, vector<16xi32>], vector<16xf32>,
        %mul3A_370 = arith.constant 16 : i32
        %mul3A_371 = arith.muli %scan3A_362, %mul3A_370 : i32
        %swap3A_372 = arith.constant 0 : i32
        %swap3A_373 = arith.constant 0 : i32
        %swap3A_374 = arith.constant 0 : i32
        %swap3A_375 = arith.constant 0 : i32
        %swap3A_376 = tpu.memref_slice %arg7[%swap3A_372, %swap3A_374, %swap3A_375] : memref<3x1x4096xf32, #tpu.memory_space<vmem>> -> memref<1x1x4096xf32, #tpu.memory_space<vmem>>
        %swap3A_377 = tpu.memref_squeeze %swap3A_376 : memref<1x1x4096xf32, #tpu.memory_space<vmem>> -> memref<1x4096xf32, #tpu.memory_space<vmem>>
        %swap3A_378 = arith.index_cast %swap3A_373 : i32 to index
        %swap3A_379 = arith.index_cast %mul3A_371 : i32 to index
        %swap3A_380 = tpu.vector_load %swap3A_377[%swap3A_378, %swap3A_379] {strides = array<i32>} : memref<1x4096xf32, #tpu.memory_space<vmem>>, vector<16xf32>,
        tpu.vector_store %swap3A_377[%swap3A_378, %swap3A_379], %gather3A_369 {strides = array<i32>} : memref<1x4096xf32, #tpu.memory_space<vmem>>, vector<16xf32>,
        %scan3A_381 = arith.constant 4 : i32
        %scan3A_382 = arith.addi %scan3A_305, %scan3A_381 : i32
        %add3A_383 = arith.constant 768 : i32
        %add3A_384 = arith.addi %add3A_383, %scan3A_382 : i32
        %mul3A_385 = arith.constant 16 : i32
        %mul3A_386 = arith.muli %add3A_384, %mul3A_385 : i32
        %get3A_387 = arith.index_cast %mul3A_386 : i32 to index
        %get3A_388 = tpu.vector_load %arg6[%get3A_387] {strides = array<i32>} : memref<16384xi32, #tpu.memory_space<vmem>>, vector<16xi32>,
        %gather3A_389 = tpu.vector_load_idx %arg5[%broadcast_in_dim3A_1, %get3A_388] : memref<1x100000xf32, #tpu.memory_space<vmem>>[vector<16xi32>, vector<16xi32>], vector<16xf32>,
        %mul3A_390 = arith.constant 16 : i32
        %mul3A_391 = arith.muli %scan3A_382, %mul3A_390 : i32
        %swap3A_392 = arith.constant 0 : i32
        %swap3A_393 = arith.constant 0 : i32
        %swap3A_394 = arith.constant 0 : i32
        %swap3A_395 = arith.constant 0 : i32
        %swap3A_396 = tpu.memref_slice %arg7[%swap3A_392, %swap3A_394, %swap3A_395] : memref<3x1x4096xf32, #tpu.memory_space<vmem>> -> memref<1x1x4096xf32, #tpu.memory_space<vmem>>
        %swap3A_397 = tpu.memref_squeeze %swap3A_396 : memref<1x1x4096xf32, #tpu.memory_space<vmem>> -> memref<1x4096xf32, #tpu.memory_space<vmem>>
        %swap3A_398 = arith.index_cast %swap3A_393 : i32 to index
        %swap3A_399 = arith.index_cast %mul3A_391 : i32 to index
        %swap3A_400 = tpu.vector_load %swap3A_397[%swap3A_398, %swap3A_399] {strides = array<i32>} : memref<1x4096xf32, #tpu.memory_space<vmem>>, vector<16xf32>,
        tpu.vector_store %swap3A_397[%swap3A_398, %swap3A_399], %gather3A_389 {strides = array<i32>} : memref<1x4096xf32, #tpu.memory_space<vmem>>, vector<16xf32>,
        %scan3A_401 = arith.constant 5 : i32
        %scan3A_402 = arith.addi %scan3A_305, %scan3A_401 : i32
        %add3A_403 = arith.constant 768 : i32
        %add3A_404 = arith.addi %add3A_403, %scan3A_402 : i32
        %mul3A_405 = arith.constant 16 : i32
        %mul3A_406 = arith.muli %add3A_404, %mul3A_405 : i32
        %get3A_407 = arith.index_cast %mul3A_406 : i32 to index
        %get3A_408 = tpu.vector_load %arg6[%get3A_407] {strides = array<i32>} : memref<16384xi32, #tpu.memory_space<vmem>>, vector<16xi32>,
        %gather3A_409 = tpu.vector_load_idx %arg5[%broadcast_in_dim3A_1, %get3A_408] : memref<1x100000xf32, #tpu.memory_space<vmem>>[vector<16xi32>, vector<16xi32>], vector<16xf32>,
        %mul3A_410 = arith.constant 16 : i32
        %mul3A_411 = arith.muli %scan3A_402, %mul3A_410 : i32
        %swap3A_412 = arith.constant 0 : i32
        %swap3A_413 = arith.constant 0 : i32
        %swap3A_414 = arith.constant 0 : i32
        %swap3A_415 = arith.constant 0 : i32
        %swap3A_416 = tpu.memref_slice %arg7[%swap3A_412, %swap3A_414, %swap3A_415] : memref<3x1x4096xf32, #tpu.memory_space<vmem>> -> memref<1x1x4096xf32, #tpu.memory_space<vmem>>
        %swap3A_417 = tpu.memref_squeeze %swap3A_416 : memref<1x1x4096xf32, #tpu.memory_space<vmem>> -> memref<1x4096xf32, #tpu.memory_space<vmem>>
        %swap3A_418 = arith.index_cast %swap3A_413 : i32 to index
        %swap3A_419 = arith.index_cast %mul3A_411 : i32 to index
        %swap3A_420 = tpu.vector_load %swap3A_417[%swap3A_418, %swap3A_419] {strides = array<i32>} : memref<1x4096xf32, #tpu.memory_space<vmem>>, vector<16xf32>,
        tpu.vector_store %swap3A_417[%swap3A_418, %swap3A_419], %gather3A_409 {strides = array<i32>} : memref<1x4096xf32, #tpu.memory_space<vmem>>, vector<16xf32>,
        %scan3A_421 = arith.constant 6 : i32
        %scan3A_422 = arith.addi %scan3A_305, %scan3A_421 : i32
        %add3A_423 = arith.constant 768 : i32
        %add3A_424 = arith.addi %add3A_423, %scan3A_422 : i32
        %mul3A_425 = arith.constant 16 : i32
        %mul3A_426 = arith.muli %add3A_424, %mul3A_425 : i32
        %get3A_427 = arith.index_cast %mul3A_426 : i32 to index
        %get3A_428 = tpu.vector_load %arg6[%get3A_427] {strides = array<i32>} : memref<16384xi32, #tpu.memory_space<vmem>>, vector<16xi32>,
        %gather3A_429 = tpu.vector_load_idx %arg5[%broadcast_in_dim3A_1, %get3A_428] : memref<1x100000xf32, #tpu.memory_space<vmem>>[vector<16xi32>, vector<16xi32>], vector<16xf32>,
        %mul3A_430 = arith.constant 16 : i32
        %mul3A_431 = arith.muli %scan3A_422, %mul3A_430 : i32
        %swap3A_432 = arith.constant 0 : i32
        %swap3A_433 = arith.constant 0 : i32
        %swap3A_434 = arith.constant 0 : i32
        %swap3A_435 = arith.constant 0 : i32
        %swap3A_436 = tpu.memref_slice %arg7[%swap3A_432, %swap3A_434, %swap3A_435] : memref<3x1x4096xf32, #tpu.memory_space<vmem>> -> memref<1x1x4096xf32, #tpu.memory_space<vmem>>
        %swap3A_437 = tpu.memref_squeeze %swap3A_436 : memref<1x1x4096xf32, #tpu.memory_space<vmem>> -> memref<1x4096xf32, #tpu.memory_space<vmem>>
        %swap3A_438 = arith.index_cast %swap3A_433 : i32 to index
        %swap3A_439 = arith.index_cast %mul3A_431 : i32 to index
        %swap3A_440 = tpu.vector_load %swap3A_437[%swap3A_438, %swap3A_439] {strides = array<i32>} : memref<1x4096xf32, #tpu.memory_space<vmem>>, vector<16xf32>,
        tpu.vector_store %swap3A_437[%swap3A_438, %swap3A_439], %gather3A_429 {strides = array<i32>} : memref<1x4096xf32, #tpu.memory_space<vmem>>, vector<16xf32>,
        %scan3A_441 = arith.constant 7 : i32
        %scan3A_442 = arith.addi %scan3A_305, %scan3A_441 : i32
        %add3A_443 = arith.constant 768 : i32
        %add3A_444 = arith.addi %add3A_443, %scan3A_442 : i32
        %mul3A_445 = arith.constant 16 : i32
        %mul3A_446 = arith.muli %add3A_444, %mul3A_445 : i32
        %get3A_447 = arith.index_cast %mul3A_446 : i32 to index
        %get3A_448 = tpu.vector_load %arg6[%get3A_447] {strides = array<i32>} : memref<16384xi32, #tpu.memory_space<vmem>>, vector<16xi32>,
        %gather3A_449 = tpu.vector_load_idx %arg5[%broadcast_in_dim3A_1, %get3A_448] : memref<1x100000xf32, #tpu.memory_space<vmem>>[vector<16xi32>, vector<16xi32>], vector<16xf32>,
        %mul3A_450 = arith.constant 16 : i32
        %mul3A_451 = arith.muli %scan3A_442, %mul3A_450 : i32
        %swap3A_452 = arith.constant 0 : i32
        %swap3A_453 = arith.constant 0 : i32
        %swap3A_454 = arith.constant 0 : i32
        %swap3A_455 = arith.constant 0 : i32
        %swap3A_456 = tpu.memref_slice %arg7[%swap3A_452, %swap3A_454, %swap3A_455] : memref<3x1x4096xf32, #tpu.memory_space<vmem>> -> memref<1x1x4096xf32, #tpu.memory_space<vmem>>
        %swap3A_457 = tpu.memref_squeeze %swap3A_456 : memref<1x1x4096xf32, #tpu.memory_space<vmem>> -> memref<1x4096xf32, #tpu.memory_space<vmem>>
        %swap3A_458 = arith.index_cast %swap3A_453 : i32 to index
        %swap3A_459 = arith.index_cast %mul3A_451 : i32 to index
        %swap3A_460 = tpu.vector_load %swap3A_457[%swap3A_458, %swap3A_459] {strides = array<i32>} : memref<1x4096xf32, #tpu.memory_space<vmem>>, vector<16xf32>,
        tpu.vector_store %swap3A_457[%swap3A_458, %swap3A_459], %gather3A_449 {strides = array<i32>} : memref<1x4096xf32, #tpu.memory_space<vmem>>, vector<16xf32>,
      }
      %scan3A_286 = arith.constant 256 : i32
      %add3A_287 = arith.constant 416 : i32
      %add3A_288 = arith.addi %add3A_287, %add3A_118 : i32
      %dma_start3A_289 = arith.constant 0 : i32
      %dma_start3A_290 = arith.constant 0 : i32
      %dma_start3A_291 = arith.constant 0 : i32
      %dma_start3A_292 = arith.constant 0 : i32
      %dma_start3A_293 = tpu.memref_slice %arg7[%dma_start3A_289, %dma_start3A_291, %dma_start3A_292] : memref<3x1x4096xf32, #tpu.memory_space<vmem>> -> memref<1x1x4096xf32, #tpu.memory_space<vmem>>
      %dma_start3A_294 = tpu.memref_squeeze %dma_start3A_293 : memref<1x1x4096xf32, #tpu.memory_space<vmem>> -> memref<1x4096xf32, #tpu.memory_space<vmem>>
      %dma_start3A_295 = arith.constant 12288 : i32
      %dma_start3A_296 = tpu.memref_slice %arg4[%add3A_288, %dma_start3A_295] : memref<1248x16384xf32, #tpu.memory_space<hbm>> -> memref<1x4096xf32, #tpu.memory_space<hbm>>
      %dma_start3A_297 = tpu.memref_slice %arg8[%dma_start3A_290] : memref<3x!tpu.dma_semaphore, #tpu.memory_space<semaphore_mem>> -> memref<1x!tpu.dma_semaphore, #tpu.memory_space<semaphore_mem>>
      %dma_start3A_298 = tpu.memref_squeeze %dma_start3A_297 : memref<1x!tpu.dma_semaphore, #tpu.memory_space<semaphore_mem>> -> memref<!tpu.dma_semaphore, #tpu.memory_space<semaphore_mem>>
      %dma_start3A_299 = arith.constant 12288 : i32
      %dma_start3A_300 = tpu.memref_slice %arg4[%add3A_288, %dma_start3A_299] : memref<1248x16384xf32, #tpu.memory_space<hbm>> -> memref<1x4096xf32, #tpu.memory_space<hbm>>
      %dma_start3A_301 = arith.constant 0 : i32
      %dma_start3A_302 = arith.constant 0 : i32
      %dma_start3A_303 = tpu.memref_slice %arg7[%dma_start3A_289, %dma_start3A_301, %dma_start3A_302] : memref<3x1x4096xf32, #tpu.memory_space<vmem>> -> memref<1x1x4096xf32, #tpu.memory_space<vmem>>
      %dma_start3A_304 = tpu.memref_squeeze %dma_start3A_303 : memref<1x1x4096xf32, #tpu.memory_space<vmem>> -> memref<1x4096xf32, #tpu.memory_space<vmem>>
      tpu.enqueue_dma source(%dma_start3A_304 : memref<1x4096xf32, #tpu.memory_space<vmem>>) target(%dma_start3A_300 : memref<1x4096xf32, #tpu.memory_space<hbm>>) target_semaphore(%dma_start3A_298 : memref<!tpu.dma_semaphore, #tpu.memory_space<semaphore_mem>>)
      scf.yield %select_n3A : i32
    }
    %scan3A_60 = arith.constant 26 : i32
    %dma_wait3A = arith.constant 0 : i32
    %dma_wait3A_61 = arith.constant 0 : i32
    %dma_wait3A_62 = arith.constant 0 : i32
    %dma_wait3A_63 = arith.constant 0 : i32
    %dma_wait3A_64 = tpu.memref_slice %arg7[%dma_wait3A, %dma_wait3A_62, %dma_wait3A_63] : memref<3x1x4096xf32, #tpu.memory_space<vmem>> -> memref<1x1x4096xf32, #tpu.memory_space<vmem>>
    %dma_wait3A_65 = tpu.memref_squeeze %dma_wait3A_64 : memref<1x1x4096xf32, #tpu.memory_space<vmem>> -> memref<1x4096xf32, #tpu.memory_space<vmem>>
    %dma_wait3A_66 = arith.constant 0 : i32
    %dma_wait3A_67 = arith.constant 0 : i32
    %dma_wait3A_68 = tpu.memref_slice %arg2[%dma_wait3A_66, %dma_wait3A_67] : memref<832x100000xf32, #tpu.memory_space<hbm>> -> memref<1x4096xf32, #tpu.memory_space<hbm>>
    %dma_wait3A_69 = tpu.memref_slice %arg8[%dma_wait3A_61] : memref<3x!tpu.dma_semaphore, #tpu.memory_space<semaphore_mem>> -> memref<1x!tpu.dma_semaphore, #tpu.memory_space<semaphore_mem>>
    %dma_wait3A_70 = tpu.memref_squeeze %dma_wait3A_69 : memref<1x!tpu.dma_semaphore, #tpu.memory_space<semaphore_mem>> -> memref<!tpu.dma_semaphore, #tpu.memory_space<semaphore_mem>>
    %dma_wait3A_71 = arith.constant 0 : i32
    %dma_wait3A_72 = arith.constant 0 : i32
    %dma_wait3A_73 = tpu.memref_slice %arg7[%dma_wait3A, %dma_wait3A_71, %dma_wait3A_72] : memref<3x1x4096xf32, #tpu.memory_space<vmem>> -> memref<1x1x4096xf32, #tpu.memory_space<vmem>>
    %dma_wait3A_74 = tpu.memref_squeeze %dma_wait3A_73 : memref<1x1x4096xf32, #tpu.memory_space<vmem>> -> memref<1x4096xf32, #tpu.memory_space<vmem>>
    %dma_wait3A_75 = arith.constant 0 : i32
    %dma_wait3A_76 = arith.constant 0 : i32
    %dma_wait3A_77 = tpu.memref_slice %arg2[%dma_wait3A_75, %dma_wait3A_76] : memref<832x100000xf32, #tpu.memory_space<hbm>> -> memref<1x4096xf32, #tpu.memory_space<hbm>>
    tpu.wait_dma2 semaphore(%dma_wait3A_70 : memref<!tpu.dma_semaphore, #tpu.memory_space<semaphore_mem>>) src(%dma_wait3A_77 : memref<1x4096xf32, #tpu.memory_space<hbm>>) dst(%dma_wait3A_74 : memref<1x4096xf32, #tpu.memory_space<vmem>>)
    %dma_wait3A_78 = arith.constant 1 : i32
    %dma_wait3A_79 = arith.constant 1 : i32
    %dma_wait3A_80 = arith.constant 0 : i32
    %dma_wait3A_81 = arith.constant 0 : i32
    %dma_wait3A_82 = tpu.memref_slice %arg7[%dma_wait3A_78, %dma_wait3A_80, %dma_wait3A_81] : memref<3x1x4096xf32, #tpu.memory_space<vmem>> -> memref<1x1x4096xf32, #tpu.memory_space<vmem>>
    %dma_wait3A_83 = tpu.memref_squeeze %dma_wait3A_82 : memref<1x1x4096xf32, #tpu.memory_space<vmem>> -> memref<1x4096xf32, #tpu.memory_space<vmem>>
    %dma_wait3A_84 = arith.constant 0 : i32
    %dma_wait3A_85 = arith.constant 0 : i32
    %dma_wait3A_86 = tpu.memref_slice %arg2[%dma_wait3A_84, %dma_wait3A_85] : memref<832x100000xf32, #tpu.memory_space<hbm>> -> memref<1x4096xf32, #tpu.memory_space<hbm>>
    %dma_wait3A_87 = tpu.memref_slice %arg8[%dma_wait3A_79] : memref<3x!tpu.dma_semaphore, #tpu.memory_space<semaphore_mem>> -> memref<1x!tpu.dma_semaphore, #tpu.memory_space<semaphore_mem>>
    %dma_wait3A_88 = tpu.memref_squeeze %dma_wait3A_87 : memref<1x!tpu.dma_semaphore, #tpu.memory_space<semaphore_mem>> -> memref<!tpu.dma_semaphore, #tpu.memory_space<semaphore_mem>>
    %dma_wait3A_89 = arith.constant 0 : i32
    %dma_wait3A_90 = arith.constant 0 : i32
    %dma_wait3A_91 = tpu.memref_slice %arg7[%dma_wait3A_78, %dma_wait3A_89, %dma_wait3A_90] : memref<3x1x4096xf32, #tpu.memory_space<vmem>> -> memref<1x1x4096xf32, #tpu.memory_space<vmem>>
    %dma_wait3A_92 = tpu.memref_squeeze %dma_wait3A_91 : memref<1x1x4096xf32, #tpu.memory_space<vmem>> -> memref<1x4096xf32, #tpu.memory_space<vmem>>
    %dma_wait3A_93 = arith.constant 0 : i32
    %dma_wait3A_94 = arith.constant 0 : i32
    %dma_wait3A_95 = tpu.memref_slice %arg2[%dma_wait3A_93, %dma_wait3A_94] : memref<832x100000xf32, #tpu.memory_space<hbm>> -> memref<1x4096xf32, #tpu.memory_space<hbm>>
    tpu.wait_dma2 semaphore(%dma_wait3A_88 : memref<!tpu.dma_semaphore, #tpu.memory_space<semaphore_mem>>) src(%dma_wait3A_95 : memref<1x4096xf32, #tpu.memory_space<hbm>>) dst(%dma_wait3A_92 : memref<1x4096xf32, #tpu.memory_space<vmem>>)
    %dma_wait3A_96 = arith.constant 2 : i32
    %dma_wait3A_97 = arith.constant 2 : i32
    %dma_wait3A_98 = arith.constant 0 : i32
    %dma_wait3A_99 = arith.constant 0 : i32
    %dma_wait3A_100 = tpu.memref_slice %arg7[%dma_wait3A_96, %dma_wait3A_98, %dma_wait3A_99] : memref<3x1x4096xf32, #tpu.memory_space<vmem>> -> memref<1x1x4096xf32, #tpu.memory_space<vmem>>
    %dma_wait3A_101 = tpu.memref_squeeze %dma_wait3A_100 : memref<1x1x4096xf32, #tpu.memory_space<vmem>> -> memref<1x4096xf32, #tpu.memory_space<vmem>>
    %dma_wait3A_102 = arith.constant 0 : i32
    %dma_wait3A_103 = arith.constant 0 : i32
    %dma_wait3A_104 = tpu.memref_slice %arg2[%dma_wait3A_102, %dma_wait3A_103] : memref<832x100000xf32, #tpu.memory_space<hbm>> -> memref<1x4096xf32, #tpu.memory_space<hbm>>
    %dma_wait3A_105 = tpu.memref_slice %arg8[%dma_wait3A_97] : memref<3x!tpu.dma_semaphore, #tpu.memory_space<semaphore_mem>> -> memref<1x!tpu.dma_semaphore, #tpu.memory_space<semaphore_mem>>
    %dma_wait3A_106 = tpu.memref_squeeze %dma_wait3A_105 : memref<1x!tpu.dma_semaphore, #tpu.memory_space<semaphore_mem>> -> memref<!tpu.dma_semaphore, #tpu.memory_space<semaphore_mem>>
    %dma_wait3A_107 = arith.constant 0 : i32
    %dma_wait3A_108 = arith.constant 0 : i32
    %dma_wait3A_109 = tpu.memref_slice %arg7[%dma_wait3A_96, %dma_wait3A_107, %dma_wait3A_108] : memref<3x1x4096xf32, #tpu.memory_space<vmem>> -> memref<1x1x4096xf32, #tpu.memory_space<vmem>>
    %dma_wait3A_110 = tpu.memref_squeeze %dma_wait3A_109 : memref<1x1x4096xf32, #tpu.memory_space<vmem>> -> memref<1x4096xf32, #tpu.memory_space<vmem>>
    %dma_wait3A_111 = arith.constant 0 : i32
    %dma_wait3A_112 = arith.constant 0 : i32
    %dma_wait3A_113 = tpu.memref_slice %arg2[%dma_wait3A_111, %dma_wait3A_112] : memref<832x100000xf32, #tpu.memory_space<hbm>> -> memref<1x4096xf32, #tpu.memory_space<hbm>>
    tpu.wait_dma2 semaphore(%dma_wait3A_106 : memref<!tpu.dma_semaphore, #tpu.memory_space<semaphore_mem>>) src(%dma_wait3A_113 : memref<1x4096xf32, #tpu.memory_space<hbm>>) dst(%dma_wait3A_110 : memref<1x4096xf32, #tpu.memory_space<vmem>>)
    return
  }
}

module attributes {stable_mosaic.version = 14 : i64} {
  func.func @_tc_body(%arg0: i32, %arg1: memref<13x4096xf32, #tpu.memory_space<vmem>>, %arg2: memref<32x13xf32, #tpu.memory_space<vmem>>, %arg3: memref<32x13xf32, #tpu.memory_space<vmem>>, %arg4: memref<32x2xf32, #tpu.memory_space<vmem>>, %arg5: memref<8x128xf32, #tpu.memory_space<vmem>>, %arg6: memref<416x4096xf32, #tpu.memory_space<vmem>>, %arg7: memref<64x4096xf32, #tpu.memory_space<vmem>>) attributes {dimension_semantics = [#tpu.dimension_semantics<arbitrary>], iteration_bounds = array<i64: 4>, scalar_prefetch = 0 : i64, scratch_operands = 0 : i64, tpu.core_type = #tpu.core_type<tc>, window_params = [{transform_indices = @transform_0, window_bounds = array<i64: 13, 4096>}, {pipeline_mode = #tpu.pipeline_mode<synchronous>, transform_indices = @transform_1, window_bounds = array<i64: 32, 13>}, {pipeline_mode = #tpu.pipeline_mode<synchronous>, transform_indices = @transform_2, window_bounds = array<i64: 32, 13>}, {pipeline_mode = #tpu.pipeline_mode<synchronous>, transform_indices = @transform_3, window_bounds = array<i64: 32, 2>}, {transform_indices = @transform_4, window_bounds = array<i64: 8, 128>}, {transform_indices = @transform_5, window_bounds = array<i64: 416, 4096>}, {transform_indices = @transform_6, window_bounds = array<i64: 64, 4096>}]} {
    %get3A = arith.constant 0 : index
    %get3A_0 = arith.constant 0 : index
    %get3A_1 = vector.load %arg2[%get3A, %get3A_0] : memref<32x13xf32, #tpu.memory_space<vmem>>, vector<32x1xf32>
    %get3A_2 = arith.constant 0 : index
    %get3A_3 = arith.constant 0 : index
    %get3A_4 = vector.load %arg1[%get3A_2, %get3A_3] : memref<13x4096xf32, #tpu.memory_space<vmem>>, vector<1x4096xf32>
    %mul3A = vector.broadcast %get3A_1 : vector<32x1xf32> to vector<32x4096xf32>
    %mul3A_5 = vector.broadcast %get3A_4 : vector<1x4096xf32> to vector<32x4096xf32>
    %mul3A_6 = arith.mulf %mul3A, %mul3A_5 : vector<32x4096xf32>
    %get3A_7 = arith.constant 0 : index
    %get3A_8 = arith.constant 0 : index
    %get3A_9 = vector.load %arg3[%get3A_7, %get3A_8] : memref<32x13xf32, #tpu.memory_space<vmem>>, vector<32x1xf32>
    %add3A = vector.broadcast %get3A_9 : vector<32x1xf32> to vector<32x4096xf32>
    %add3A_10 = arith.addf %mul3A_6, %add3A : vector<32x4096xf32>
    %swap3A = arith.constant 0 : index
    %swap3A_11 = arith.constant 0 : index
    %swap3A_12 = vector.load %arg6[%swap3A, %swap3A_11] : memref<416x4096xf32, #tpu.memory_space<vmem>>, vector<32x4096xf32>
    tpu.vector_store %arg6[%swap3A, %swap3A_11], %add3A_10 {strides = array<i32>} : memref<416x4096xf32, #tpu.memory_space<vmem>>, vector<32x4096xf32>,
    %get3A_13 = arith.constant 0 : index
    %get3A_14 = arith.constant 1 : index
    %get3A_15 = vector.load %arg2[%get3A_13, %get3A_14] : memref<32x13xf32, #tpu.memory_space<vmem>>, vector<32x1xf32>
    %get3A_16 = arith.constant 1 : index
    %get3A_17 = arith.constant 0 : index
    %get3A_18 = vector.load %arg1[%get3A_16, %get3A_17] : memref<13x4096xf32, #tpu.memory_space<vmem>>, vector<1x4096xf32>
    %mul3A_19 = vector.broadcast %get3A_15 : vector<32x1xf32> to vector<32x4096xf32>
    %mul3A_20 = vector.broadcast %get3A_18 : vector<1x4096xf32> to vector<32x4096xf32>
    %mul3A_21 = arith.mulf %mul3A_19, %mul3A_20 : vector<32x4096xf32>
    %get3A_22 = arith.constant 0 : index
    %get3A_23 = arith.constant 1 : index
    %get3A_24 = vector.load %arg3[%get3A_22, %get3A_23] : memref<32x13xf32, #tpu.memory_space<vmem>>, vector<32x1xf32>
    %add3A_25 = vector.broadcast %get3A_24 : vector<32x1xf32> to vector<32x4096xf32>
    %add3A_26 = arith.addf %mul3A_21, %add3A_25 : vector<32x4096xf32>
    %swap3A_27 = arith.constant 32 : index
    %swap3A_28 = arith.constant 0 : index
    %swap3A_29 = vector.load %arg6[%swap3A_27, %swap3A_28] : memref<416x4096xf32, #tpu.memory_space<vmem>>, vector<32x4096xf32>
    tpu.vector_store %arg6[%swap3A_27, %swap3A_28], %add3A_26 {strides = array<i32>} : memref<416x4096xf32, #tpu.memory_space<vmem>>, vector<32x4096xf32>,
    %get3A_30 = arith.constant 0 : index
    %get3A_31 = arith.constant 2 : index
    %get3A_32 = vector.load %arg2[%get3A_30, %get3A_31] : memref<32x13xf32, #tpu.memory_space<vmem>>, vector<32x1xf32>
    %get3A_33 = arith.constant 2 : index
    %get3A_34 = arith.constant 0 : index
    %get3A_35 = vector.load %arg1[%get3A_33, %get3A_34] : memref<13x4096xf32, #tpu.memory_space<vmem>>, vector<1x4096xf32>
    %mul3A_36 = vector.broadcast %get3A_32 : vector<32x1xf32> to vector<32x4096xf32>
    %mul3A_37 = vector.broadcast %get3A_35 : vector<1x4096xf32> to vector<32x4096xf32>
    %mul3A_38 = arith.mulf %mul3A_36, %mul3A_37 : vector<32x4096xf32>
    %get3A_39 = arith.constant 0 : index
    %get3A_40 = arith.constant 2 : index
    %get3A_41 = vector.load %arg3[%get3A_39, %get3A_40] : memref<32x13xf32, #tpu.memory_space<vmem>>, vector<32x1xf32>
    %add3A_42 = vector.broadcast %get3A_41 : vector<32x1xf32> to vector<32x4096xf32>
    %add3A_43 = arith.addf %mul3A_38, %add3A_42 : vector<32x4096xf32>
    %swap3A_44 = arith.constant 64 : index
    %swap3A_45 = arith.constant 0 : index
    %swap3A_46 = vector.load %arg6[%swap3A_44, %swap3A_45] : memref<416x4096xf32, #tpu.memory_space<vmem>>, vector<32x4096xf32>
    tpu.vector_store %arg6[%swap3A_44, %swap3A_45], %add3A_43 {strides = array<i32>} : memref<416x4096xf32, #tpu.memory_space<vmem>>, vector<32x4096xf32>,
    %get3A_47 = arith.constant 0 : index
    %get3A_48 = arith.constant 3 : index
    %get3A_49 = vector.load %arg2[%get3A_47, %get3A_48] : memref<32x13xf32, #tpu.memory_space<vmem>>, vector<32x1xf32>
    %get3A_50 = arith.constant 3 : index
    %get3A_51 = arith.constant 0 : index
    %get3A_52 = vector.load %arg1[%get3A_50, %get3A_51] : memref<13x4096xf32, #tpu.memory_space<vmem>>, vector<1x4096xf32>
    %mul3A_53 = vector.broadcast %get3A_49 : vector<32x1xf32> to vector<32x4096xf32>
    %mul3A_54 = vector.broadcast %get3A_52 : vector<1x4096xf32> to vector<32x4096xf32>
    %mul3A_55 = arith.mulf %mul3A_53, %mul3A_54 : vector<32x4096xf32>
    %get3A_56 = arith.constant 0 : index
    %get3A_57 = arith.constant 3 : index
    %get3A_58 = vector.load %arg3[%get3A_56, %get3A_57] : memref<32x13xf32, #tpu.memory_space<vmem>>, vector<32x1xf32>
    %add3A_59 = vector.broadcast %get3A_58 : vector<32x1xf32> to vector<32x4096xf32>
    %add3A_60 = arith.addf %mul3A_55, %add3A_59 : vector<32x4096xf32>
    %swap3A_61 = arith.constant 96 : index
    %swap3A_62 = arith.constant 0 : index
    %swap3A_63 = vector.load %arg6[%swap3A_61, %swap3A_62] : memref<416x4096xf32, #tpu.memory_space<vmem>>, vector<32x4096xf32>
    tpu.vector_store %arg6[%swap3A_61, %swap3A_62], %add3A_60 {strides = array<i32>} : memref<416x4096xf32, #tpu.memory_space<vmem>>, vector<32x4096xf32>,
    %get3A_64 = arith.constant 0 : index
    %get3A_65 = arith.constant 4 : index
    %get3A_66 = vector.load %arg2[%get3A_64, %get3A_65] : memref<32x13xf32, #tpu.memory_space<vmem>>, vector<32x1xf32>
    %get3A_67 = arith.constant 4 : index
    %get3A_68 = arith.constant 0 : index
    %get3A_69 = vector.load %arg1[%get3A_67, %get3A_68] : memref<13x4096xf32, #tpu.memory_space<vmem>>, vector<1x4096xf32>
    %mul3A_70 = vector.broadcast %get3A_66 : vector<32x1xf32> to vector<32x4096xf32>
    %mul3A_71 = vector.broadcast %get3A_69 : vector<1x4096xf32> to vector<32x4096xf32>
    %mul3A_72 = arith.mulf %mul3A_70, %mul3A_71 : vector<32x4096xf32>
    %get3A_73 = arith.constant 0 : index
    %get3A_74 = arith.constant 4 : index
    %get3A_75 = vector.load %arg3[%get3A_73, %get3A_74] : memref<32x13xf32, #tpu.memory_space<vmem>>, vector<32x1xf32>
    %add3A_76 = vector.broadcast %get3A_75 : vector<32x1xf32> to vector<32x4096xf32>
    %add3A_77 = arith.addf %mul3A_72, %add3A_76 : vector<32x4096xf32>
    %swap3A_78 = arith.constant 128 : index
    %swap3A_79 = arith.constant 0 : index
    %swap3A_80 = vector.load %arg6[%swap3A_78, %swap3A_79] : memref<416x4096xf32, #tpu.memory_space<vmem>>, vector<32x4096xf32>
    tpu.vector_store %arg6[%swap3A_78, %swap3A_79], %add3A_77 {strides = array<i32>} : memref<416x4096xf32, #tpu.memory_space<vmem>>, vector<32x4096xf32>,
    %get3A_81 = arith.constant 0 : index
    %get3A_82 = arith.constant 5 : index
    %get3A_83 = vector.load %arg2[%get3A_81, %get3A_82] : memref<32x13xf32, #tpu.memory_space<vmem>>, vector<32x1xf32>
    %get3A_84 = arith.constant 5 : index
    %get3A_85 = arith.constant 0 : index
    %get3A_86 = vector.load %arg1[%get3A_84, %get3A_85] : memref<13x4096xf32, #tpu.memory_space<vmem>>, vector<1x4096xf32>
    %mul3A_87 = vector.broadcast %get3A_83 : vector<32x1xf32> to vector<32x4096xf32>
    %mul3A_88 = vector.broadcast %get3A_86 : vector<1x4096xf32> to vector<32x4096xf32>
    %mul3A_89 = arith.mulf %mul3A_87, %mul3A_88 : vector<32x4096xf32>
    %get3A_90 = arith.constant 0 : index
    %get3A_91 = arith.constant 5 : index
    %get3A_92 = vector.load %arg3[%get3A_90, %get3A_91] : memref<32x13xf32, #tpu.memory_space<vmem>>, vector<32x1xf32>
    %add3A_93 = vector.broadcast %get3A_92 : vector<32x1xf32> to vector<32x4096xf32>
    %add3A_94 = arith.addf %mul3A_89, %add3A_93 : vector<32x4096xf32>
    %swap3A_95 = arith.constant 160 : index
    %swap3A_96 = arith.constant 0 : index
    %swap3A_97 = vector.load %arg6[%swap3A_95, %swap3A_96] : memref<416x4096xf32, #tpu.memory_space<vmem>>, vector<32x4096xf32>
    tpu.vector_store %arg6[%swap3A_95, %swap3A_96], %add3A_94 {strides = array<i32>} : memref<416x4096xf32, #tpu.memory_space<vmem>>, vector<32x4096xf32>,
    %get3A_98 = arith.constant 0 : index
    %get3A_99 = arith.constant 6 : index
    %get3A_100 = vector.load %arg2[%get3A_98, %get3A_99] : memref<32x13xf32, #tpu.memory_space<vmem>>, vector<32x1xf32>
    %get3A_101 = arith.constant 6 : index
    %get3A_102 = arith.constant 0 : index
    %get3A_103 = vector.load %arg1[%get3A_101, %get3A_102] : memref<13x4096xf32, #tpu.memory_space<vmem>>, vector<1x4096xf32>
    %mul3A_104 = vector.broadcast %get3A_100 : vector<32x1xf32> to vector<32x4096xf32>
    %mul3A_105 = vector.broadcast %get3A_103 : vector<1x4096xf32> to vector<32x4096xf32>
    %mul3A_106 = arith.mulf %mul3A_104, %mul3A_105 : vector<32x4096xf32>
    %get3A_107 = arith.constant 0 : index
    %get3A_108 = arith.constant 6 : index
    %get3A_109 = vector.load %arg3[%get3A_107, %get3A_108] : memref<32x13xf32, #tpu.memory_space<vmem>>, vector<32x1xf32>
    %add3A_110 = vector.broadcast %get3A_109 : vector<32x1xf32> to vector<32x4096xf32>
    %add3A_111 = arith.addf %mul3A_106, %add3A_110 : vector<32x4096xf32>
    %swap3A_112 = arith.constant 192 : index
    %swap3A_113 = arith.constant 0 : index
    %swap3A_114 = vector.load %arg6[%swap3A_112, %swap3A_113] : memref<416x4096xf32, #tpu.memory_space<vmem>>, vector<32x4096xf32>
    tpu.vector_store %arg6[%swap3A_112, %swap3A_113], %add3A_111 {strides = array<i32>} : memref<416x4096xf32, #tpu.memory_space<vmem>>, vector<32x4096xf32>,
    %get3A_115 = arith.constant 0 : index
    %get3A_116 = arith.constant 7 : index
    %get3A_117 = vector.load %arg2[%get3A_115, %get3A_116] : memref<32x13xf32, #tpu.memory_space<vmem>>, vector<32x1xf32>
    %get3A_118 = arith.constant 7 : index
    %get3A_119 = arith.constant 0 : index
    %get3A_120 = vector.load %arg1[%get3A_118, %get3A_119] : memref<13x4096xf32, #tpu.memory_space<vmem>>, vector<1x4096xf32>
    %mul3A_121 = vector.broadcast %get3A_117 : vector<32x1xf32> to vector<32x4096xf32>
    %mul3A_122 = vector.broadcast %get3A_120 : vector<1x4096xf32> to vector<32x4096xf32>
    %mul3A_123 = arith.mulf %mul3A_121, %mul3A_122 : vector<32x4096xf32>
    %get3A_124 = arith.constant 0 : index
    %get3A_125 = arith.constant 7 : index
    %get3A_126 = vector.load %arg3[%get3A_124, %get3A_125] : memref<32x13xf32, #tpu.memory_space<vmem>>, vector<32x1xf32>
    %add3A_127 = vector.broadcast %get3A_126 : vector<32x1xf32> to vector<32x4096xf32>
    %add3A_128 = arith.addf %mul3A_123, %add3A_127 : vector<32x4096xf32>
    %swap3A_129 = arith.constant 224 : index
    %swap3A_130 = arith.constant 0 : index
    %swap3A_131 = vector.load %arg6[%swap3A_129, %swap3A_130] : memref<416x4096xf32, #tpu.memory_space<vmem>>, vector<32x4096xf32>
    tpu.vector_store %arg6[%swap3A_129, %swap3A_130], %add3A_128 {strides = array<i32>} : memref<416x4096xf32, #tpu.memory_space<vmem>>, vector<32x4096xf32>,
    %get3A_132 = arith.constant 0 : index
    %get3A_133 = arith.constant 8 : index
    %get3A_134 = vector.load %arg2[%get3A_132, %get3A_133] : memref<32x13xf32, #tpu.memory_space<vmem>>, vector<32x1xf32>
    %get3A_135 = arith.constant 8 : index
    %get3A_136 = arith.constant 0 : index
    %get3A_137 = vector.load %arg1[%get3A_135, %get3A_136] : memref<13x4096xf32, #tpu.memory_space<vmem>>, vector<1x4096xf32>
    %mul3A_138 = vector.broadcast %get3A_134 : vector<32x1xf32> to vector<32x4096xf32>
    %mul3A_139 = vector.broadcast %get3A_137 : vector<1x4096xf32> to vector<32x4096xf32>
    %mul3A_140 = arith.mulf %mul3A_138, %mul3A_139 : vector<32x4096xf32>
    %get3A_141 = arith.constant 0 : index
    %get3A_142 = arith.constant 8 : index
    %get3A_143 = vector.load %arg3[%get3A_141, %get3A_142] : memref<32x13xf32, #tpu.memory_space<vmem>>, vector<32x1xf32>
    %add3A_144 = vector.broadcast %get3A_143 : vector<32x1xf32> to vector<32x4096xf32>
    %add3A_145 = arith.addf %mul3A_140, %add3A_144 : vector<32x4096xf32>
    %swap3A_146 = arith.constant 256 : index
    %swap3A_147 = arith.constant 0 : index
    %swap3A_148 = vector.load %arg6[%swap3A_146, %swap3A_147] : memref<416x4096xf32, #tpu.memory_space<vmem>>, vector<32x4096xf32>
    tpu.vector_store %arg6[%swap3A_146, %swap3A_147], %add3A_145 {strides = array<i32>} : memref<416x4096xf32, #tpu.memory_space<vmem>>, vector<32x4096xf32>,
    %get3A_149 = arith.constant 0 : index
    %get3A_150 = arith.constant 9 : index
    %get3A_151 = vector.load %arg2[%get3A_149, %get3A_150] : memref<32x13xf32, #tpu.memory_space<vmem>>, vector<32x1xf32>
    %get3A_152 = arith.constant 9 : index
    %get3A_153 = arith.constant 0 : index
    %get3A_154 = vector.load %arg1[%get3A_152, %get3A_153] : memref<13x4096xf32, #tpu.memory_space<vmem>>, vector<1x4096xf32>
    %mul3A_155 = vector.broadcast %get3A_151 : vector<32x1xf32> to vector<32x4096xf32>
    %mul3A_156 = vector.broadcast %get3A_154 : vector<1x4096xf32> to vector<32x4096xf32>
    %mul3A_157 = arith.mulf %mul3A_155, %mul3A_156 : vector<32x4096xf32>
    %get3A_158 = arith.constant 0 : index
    %get3A_159 = arith.constant 9 : index
    %get3A_160 = vector.load %arg3[%get3A_158, %get3A_159] : memref<32x13xf32, #tpu.memory_space<vmem>>, vector<32x1xf32>
    %add3A_161 = vector.broadcast %get3A_160 : vector<32x1xf32> to vector<32x4096xf32>
    %add3A_162 = arith.addf %mul3A_157, %add3A_161 : vector<32x4096xf32>
    %swap3A_163 = arith.constant 288 : index
    %swap3A_164 = arith.constant 0 : index
    %swap3A_165 = vector.load %arg6[%swap3A_163, %swap3A_164] : memref<416x4096xf32, #tpu.memory_space<vmem>>, vector<32x4096xf32>
    tpu.vector_store %arg6[%swap3A_163, %swap3A_164], %add3A_162 {strides = array<i32>} : memref<416x4096xf32, #tpu.memory_space<vmem>>, vector<32x4096xf32>,
    %get3A_166 = arith.constant 0 : index
    %get3A_167 = arith.constant 10 : index
    %get3A_168 = vector.load %arg2[%get3A_166, %get3A_167] : memref<32x13xf32, #tpu.memory_space<vmem>>, vector<32x1xf32>
    %get3A_169 = arith.constant 10 : index
    %get3A_170 = arith.constant 0 : index
    %get3A_171 = vector.load %arg1[%get3A_169, %get3A_170] : memref<13x4096xf32, #tpu.memory_space<vmem>>, vector<1x4096xf32>
    %mul3A_172 = vector.broadcast %get3A_168 : vector<32x1xf32> to vector<32x4096xf32>
    %mul3A_173 = vector.broadcast %get3A_171 : vector<1x4096xf32> to vector<32x4096xf32>
    %mul3A_174 = arith.mulf %mul3A_172, %mul3A_173 : vector<32x4096xf32>
    %get3A_175 = arith.constant 0 : index
    %get3A_176 = arith.constant 10 : index
    %get3A_177 = vector.load %arg3[%get3A_175, %get3A_176] : memref<32x13xf32, #tpu.memory_space<vmem>>, vector<32x1xf32>
    %add3A_178 = vector.broadcast %get3A_177 : vector<32x1xf32> to vector<32x4096xf32>
    %add3A_179 = arith.addf %mul3A_174, %add3A_178 : vector<32x4096xf32>
    %swap3A_180 = arith.constant 320 : index
    %swap3A_181 = arith.constant 0 : index
    %swap3A_182 = vector.load %arg6[%swap3A_180, %swap3A_181] : memref<416x4096xf32, #tpu.memory_space<vmem>>, vector<32x4096xf32>
    tpu.vector_store %arg6[%swap3A_180, %swap3A_181], %add3A_179 {strides = array<i32>} : memref<416x4096xf32, #tpu.memory_space<vmem>>, vector<32x4096xf32>,
    %get3A_183 = arith.constant 0 : index
    %get3A_184 = arith.constant 11 : index
    %get3A_185 = vector.load %arg2[%get3A_183, %get3A_184] : memref<32x13xf32, #tpu.memory_space<vmem>>, vector<32x1xf32>
    %get3A_186 = arith.constant 11 : index
    %get3A_187 = arith.constant 0 : index
    %get3A_188 = vector.load %arg1[%get3A_186, %get3A_187] : memref<13x4096xf32, #tpu.memory_space<vmem>>, vector<1x4096xf32>
    %mul3A_189 = vector.broadcast %get3A_185 : vector<32x1xf32> to vector<32x4096xf32>
    %mul3A_190 = vector.broadcast %get3A_188 : vector<1x4096xf32> to vector<32x4096xf32>
    %mul3A_191 = arith.mulf %mul3A_189, %mul3A_190 : vector<32x4096xf32>
    %get3A_192 = arith.constant 0 : index
    %get3A_193 = arith.constant 11 : index
    %get3A_194 = vector.load %arg3[%get3A_192, %get3A_193] : memref<32x13xf32, #tpu.memory_space<vmem>>, vector<32x1xf32>
    %add3A_195 = vector.broadcast %get3A_194 : vector<32x1xf32> to vector<32x4096xf32>
    %add3A_196 = arith.addf %mul3A_191, %add3A_195 : vector<32x4096xf32>
    %swap3A_197 = arith.constant 352 : index
    %swap3A_198 = arith.constant 0 : index
    %swap3A_199 = vector.load %arg6[%swap3A_197, %swap3A_198] : memref<416x4096xf32, #tpu.memory_space<vmem>>, vector<32x4096xf32>
    tpu.vector_store %arg6[%swap3A_197, %swap3A_198], %add3A_196 {strides = array<i32>} : memref<416x4096xf32, #tpu.memory_space<vmem>>, vector<32x4096xf32>,
    %get3A_200 = arith.constant 0 : index
    %get3A_201 = arith.constant 12 : index
    %get3A_202 = vector.load %arg2[%get3A_200, %get3A_201] : memref<32x13xf32, #tpu.memory_space<vmem>>, vector<32x1xf32>
    %get3A_203 = arith.constant 12 : index
    %get3A_204 = arith.constant 0 : index
    %get3A_205 = vector.load %arg1[%get3A_203, %get3A_204] : memref<13x4096xf32, #tpu.memory_space<vmem>>, vector<1x4096xf32>
    %mul3A_206 = vector.broadcast %get3A_202 : vector<32x1xf32> to vector<32x4096xf32>
    %mul3A_207 = vector.broadcast %get3A_205 : vector<1x4096xf32> to vector<32x4096xf32>
    %mul3A_208 = arith.mulf %mul3A_206, %mul3A_207 : vector<32x4096xf32>
    %get3A_209 = arith.constant 0 : index
    %get3A_210 = arith.constant 12 : index
    %get3A_211 = vector.load %arg3[%get3A_209, %get3A_210] : memref<32x13xf32, #tpu.memory_space<vmem>>, vector<32x1xf32>
    %add3A_212 = vector.broadcast %get3A_211 : vector<32x1xf32> to vector<32x4096xf32>
    %add3A_213 = arith.addf %mul3A_208, %add3A_212 : vector<32x4096xf32>
    %swap3A_214 = arith.constant 384 : index
    %swap3A_215 = arith.constant 0 : index
    %swap3A_216 = vector.load %arg6[%swap3A_214, %swap3A_215] : memref<416x4096xf32, #tpu.memory_space<vmem>>, vector<32x4096xf32>
    tpu.vector_store %arg6[%swap3A_214, %swap3A_215], %add3A_213 {strides = array<i32>} : memref<416x4096xf32, #tpu.memory_space<vmem>>, vector<32x4096xf32>,
    %get3A_217 = arith.constant 0 : index
    %get3A_218 = arith.constant 0 : index
    %get3A_219 = vector.load %arg4[%get3A_217, %get3A_218] : memref<32x2xf32, #tpu.memory_space<vmem>>, vector<32x1xf32>
    %broadcast_in_dim3A = vector.shape_cast %get3A_219 : vector<32x1xf32> to vector<32x1xf32>
    %broadcast_in_dim3A_220 = vector.broadcast %broadcast_in_dim3A : vector<32x1xf32> to vector<32x4096xf32>
    %swap3A_221 = arith.constant 0 : index
    %swap3A_222 = arith.constant 0 : index
    %swap3A_223 = vector.load %arg7[%swap3A_221, %swap3A_222] : memref<64x4096xf32, #tpu.memory_space<vmem>>, vector<32x4096xf32>
    tpu.vector_store %arg7[%swap3A_221, %swap3A_222], %broadcast_in_dim3A_220 {strides = array<i32>} : memref<64x4096xf32, #tpu.memory_space<vmem>>, vector<32x4096xf32>,
    %get3A_224 = arith.constant 0 : index
    %get3A_225 = arith.constant 1 : index
    %get3A_226 = vector.load %arg4[%get3A_224, %get3A_225] : memref<32x2xf32, #tpu.memory_space<vmem>>, vector<32x1xf32>
    %broadcast_in_dim3A_227 = vector.shape_cast %get3A_226 : vector<32x1xf32> to vector<32x1xf32>
    %broadcast_in_dim3A_228 = vector.broadcast %broadcast_in_dim3A_227 : vector<32x1xf32> to vector<32x4096xf32>
    %swap3A_229 = arith.constant 32 : index
    %swap3A_230 = arith.constant 0 : index
    %swap3A_231 = vector.load %arg7[%swap3A_229, %swap3A_230] : memref<64x4096xf32, #tpu.memory_space<vmem>>, vector<32x4096xf32>
    tpu.vector_store %arg7[%swap3A_229, %swap3A_230], %broadcast_in_dim3A_228 {strides = array<i32>} : memref<64x4096xf32, #tpu.memory_space<vmem>>, vector<32x4096xf32>,
    return
  }
  func.func @transform_0(%arg0: i32) -> (i32, i32) {
    %c0_i32 = arith.constant 0 : i32
    %c0_i32_0 = arith.constant 0 : i32
    return %c0_i32, %arg0 : i32, i32
  }
  func.func @transform_1(%arg0: i32) -> (i32, i32) {
    %c0_i32 = arith.constant 0 : i32
    %c0_i32_0 = arith.constant 0 : i32
    %c0_i32_1 = arith.constant 0 : i32
    return %c0_i32, %c0_i32_0 : i32, i32
  }
  func.func @transform_2(%arg0: i32) -> (i32, i32) {
    %c0_i32 = arith.constant 0 : i32
    %c0_i32_0 = arith.constant 0 : i32
    %c0_i32_1 = arith.constant 0 : i32
    return %c0_i32, %c0_i32_0 : i32, i32
  }
  func.func @transform_3(%arg0: i32) -> (i32, i32) {
    %c0_i32 = arith.constant 0 : i32
    %c0_i32_0 = arith.constant 0 : i32
    %c0_i32_1 = arith.constant 0 : i32
    return %c0_i32, %c0_i32_0 : i32, i32
  }
  func.func @transform_4(%arg0: i32) -> (i32, i32) {
    %c0_i32 = arith.constant 0 : i32
    %c0_i32_0 = arith.constant 0 : i32
    %c0_i32_1 = arith.constant 0 : i32
    return %c0_i32, %c0_i32_0 : i32, i32
  }
  func.func @transform_5(%arg0: i32) -> (i32, i32) {
    %c0_i32 = arith.constant 0 : i32
    %c0_i32_0 = arith.constant 0 : i32
    return %c0_i32, %arg0 : i32, i32
  }
  func.func @transform_6(%arg0: i32) -> (i32, i32) {
    %c0_i32 = arith.constant 0 : i32
    %c0_i32_0 = arith.constant 0 : i32
    return %c0_i32, %arg0 : i32, i32
  }
}

</mosaic_0001>

<sc_bundles>
// kernel: kernel.4.cloned.1.call-start
scs
__scs_entry_jumppad:
0x0: {  	(pc) =	sbr.rel $0x88, $3  }
0x1: {  	(tag) =	ssettag $0x0;
	lr =	simm.s32 $0x1  }
0x2: {  	[smem:$0x3F9B] =	sst lr;
	_ =	strace $0xD0000000  }
0x3: {  	_ = 	snop  }
0x4: {  	_ = 	snop  }
0x5: {  	_ = 	snop  }
0x6: {  	_ = 	snop  }
0x7: {  	_ = 	snop  }
__scs_overlays_trampoline_lowered:
0x8: {  	[smem:$0x3FAA] =	sst s0  }
0x9: {  	[smem:$0x3FAB] =	sst s1  }
0xa: {  	[smem:$0x3FAC] =	sst s2  }
0xb: {  	[smem:$0x3FAD] =	sst s3  }
0xc: {  	[smem:$0x3FAE] =	sst s4  }
0xd: {  	[smem:$0x3FAF] =	sst s5  }
0xe: {  	[smem:$0x3FB0] =	sst s6  }
0xf: {  	[smem:$0x3FB1] =	sst s7  }
0x10: {  	[smem:$0x3FB2] =	sst s8  }
0x11: {  	[smem:$0x3FB3] =	sst s9;
	s0 =	simm.s32 @!p0 $0x0  }
0x12: {  	s1 =	sld [smem:$0x3F99];
	s0 =	simm.s32 @p0 $0x1  }
0x13: {  	[smem:$0x3FB4] =	sst s0;
	s0 =	simm.s32 @!p1 $0x0  }
0x14: {  	s2 =	sld [smem:$0x3F98];
	s0 =	simm.s32 @p1 $0x1  }
0x15: {  	[smem:$0x3FB5] =	sst s0;
	s0 =	simm.s32 @!p2 $0x0  }
0x16: {  	s3 =	sld [smem:$0x3FDB];
	s0 =	simm.s32 @p2 $0x1  }
0x17: {  	s4 =	simm.s32 $0x1BF5;
	[smem:$0x3FB7] =	sst s0  }
0x18: {  	s0 =	sld [smem:$0x3F9A];
	_ =	swait.ge [sflag:s4], $0x0  }
0x19: {  	s7 =	sld [smem:$0x3F9B]  }
0x1a: {  	s8 =	sadd.s32 $0xFFFFE003, lr  }
0x1b: {  	s9 =	sadd.s32 $0xFFFFFEF7, lr;
	s5 =	simm.s32 $0xFFFFFFFF;
	p2 =	slt.u32 s8, $0xFFFFF086  }
0x1c: {  	p1 =	slt.u32 s9, $0xF7A;
	s5 =	simm.s32 @!p2 $0x0  }
0x1d: {  	s5 =	simm.s32 @p1 $0x1;
	p0 =	seq.s32 s7, s2  }
0x1e: {  	s7 =	smul.u32 @!p0 $0xF7A, s2;
	p2 =	seq.s32 @!p0 s5, $0x0  }
0x1f: {  	s9 =	smul.u32 $0xF7A, s1;
	s8 =	simm.s32 @!p0 $0x1BF5;
	p2 =	por !p2, p0  }
0x20: {  	[sflag:s8] =	ssyncset.s32 @!p0 $0xFFFFF086;
	s6 =	sadd.s32 @!p0 s3, s7;
	s7 =	simm.s32 @!p0 $0x108  }
0x21: {  	s3 =	sadd.s32 s3, s9;
	s6 =	sadd.s32 @!p0 $0x88, s6;
	s7 =	simm.s32 @p2 $0x1082  }
0x22: {  	[simem:s7], [sflag:s8] =	dma.local @!p0 [hbm:s6], $0xF7A  }
0x23: {  	s9 =	sor.u32 $0xD0000000, s2;
	s6 =	simm.s32 $0x108;
	_ =	swait.ge @!p0 [sflag:s8], $0x0  }
0x24: {  	s3 =	sadd.s32 $0x88, s3;
	s6 =	simm.s32 @!p1 $0x1082;
	[sflag:s4] =	ssyncset.s32 $0xFFFFF086  }
0x25: {  	[simem:s6], [sflag:s4] =	dma.local [hbm:s3], $0xF7A  }
0x26: {  	[smem:$0x3F9B] =	sst s1;
	(tag) =	ssettag s2;
	_ =	strace s9  }
0x27: {  	s1 =	sld [smem:$0x3FAB]  }
0x28: {  	s2 =	sld [smem:$0x3FAC]  }
0x29: {  	s4 =	sld [smem:$0x3FAE]  }
0x2a: {  	p0 =	seq.s32 s5, $0x0;
	s5 =	sld [smem:$0x3FAF]  }
0x2b: {  	s6 =	sld [smem:$0x3FB0]  }
0x2c: {  	s7 =	sld [smem:$0x3FB1]  }
0x2d: {  	s3 =	simm.s32 $0x108;
	s8 =	sld [smem:$0x3FB2]  }
0x2e: {  	s3 =	simm.s32 @!p0 $0x1082;
	s9 =	sld [smem:$0x3FB3]  }
0x2f: {  	lr =	sadd.s32 s0, s3;
	s0 =	sld [smem:$0x3FAA]  }
0x30: {  	s3 =	sld [smem:$0x3FAD]  }
0x31: {  	[smem:$0x3FB6] =	sst s10  }
0x32: {  	s10 =	sld [smem:$0x3FB4];
	_ =	sdelay $0x3  }
0x33: {  	p0 =	seq.s32 s10, $0x1;
	s10 =	sld [smem:$0x3FB6];
	_ =	sdelay $0x3  }
0x34: {  	[smem:$0x3FB6] =	sst s10  }
0x35: {  	s10 =	sld [smem:$0x3FB5];
	_ =	sdelay $0x3  }
0x36: {  	p1 =	seq.s32 s10, $0x1;
	s10 =	sld [smem:$0x3FB6];
	_ =	sdelay $0x3  }
0x37: {  	[smem:$0x3FB6] =	sst s10  }
0x38: {  	s10 =	sld [smem:$0x3FB7]  }
0x39: {  	_ = 	snop;
	(pc) =	sbr.ind lr, $3  }
0x3a: {  	_ = 	snop  }
0x3b: {  	_ = 	snop  }
0x3c: {  	p2 =	seq.s32 s10, $0x1;
	s10 =	sld [smem:$0x3FB6]  }
0x3d: {  	_ =	shalt  }
0x3e: {  	_ =	shalt  }
0x3f: {  	_ =	shalt  }
0x40: {  	_ =	shalt  }
0x41: {  	_ =	shalt  }
0x42: {  	_ =	shalt  }
0x43: {  	_ =	shalt  }
0x44: {  	_ =	shalt  }
0x45: {  	_ =	shalt  }
0x46: {  	_ =	shalt  }
0x47: {  	_ =	shalt  }
0x48: {  	_ =	shalt  }
0x49: {  	_ =	shalt  }
0x4a: {  	_ =	shalt  }
0x4b: {  	_ =	shalt  }
0x4c: {  	_ =	shalt  }
0x4d: {  	_ =	shalt  }
0x4e: {  	_ =	shalt  }
0x4f: {  	_ =	shalt  }
0x50: {  	_ =	shalt  }
0x51: {  	_ =	shalt  }
0x52: {  	_ =	shalt  }
0x53: {  	_ =	shalt  }
0x54: {  	_ =	shalt  }
0x55: {  	_ =	shalt  }
0x56: {  	_ =	shalt  }
0x57: {  	_ =	shalt  }
0x58: {  	_ =	shalt  }
0x59: {  	_ =	shalt  }
0x5a: {  	_ =	shalt  }
0x5b: {  	_ =	shalt  }
0x5c: {  	_ =	shalt  }
0x5d: {  	_ =	shalt  }
0x5e: {  	_ =	shalt  }
0x5f: {  	_ =	shalt  }
0x60: {  	_ =	shalt  }
0x61: {  	_ =	shalt  }
0x62: {  	_ =	shalt  }
0x63: {  	_ =	shalt  }
0x64: {  	_ =	shalt  }
0x65: {  	_ =	shalt  }
0x66: {  	_ =	shalt  }
0x67: {  	_ =	shalt  }
0x68: {  	_ =	shalt  }
0x69: {  	_ =	shalt  }
0x6a: {  	_ =	shalt  }
0x6b: {  	_ =	shalt  }
0x6c: {  	_ =	shalt  }
0x6d: {  	_ =	shalt  }
0x6e: {  	_ =	shalt  }
0x6f: {  	_ =	shalt  }
0x70: {  	_ =	shalt  }
0x71: {  	_ =	shalt  }
0x72: {  	_ =	shalt  }
0x73: {  	_ =	shalt  }
0x74: {  	_ =	shalt  }
0x75: {  	_ =	shalt  }
0x76: {  	_ =	shalt  }
0x77: {  	_ =	shalt  }
0x78: {  	_ =	shalt  }
0x79: {  	_ =	shalt  }
0x7a: {  	_ =	shalt  }
0x7b: {  	_ =	shalt  }
0x7c: {  	_ =	shalt  }
0x7d: {  	_ =	shalt  }
0x7e: {  	_ =	shalt  }
0x7f: {  	_ =	shalt  }
0x80: {  	_ =	shalt  }
0x81: {  	_ =	shalt  }
0x82: {  	_ =	shalt  }
0x83: {  	_ =	shalt  }
0x84: {  	_ =	shalt  }
0x85: {  	_ =	shalt  }
0x86: {  	_ =	shalt  }
0x87: {  	_ =	shalt  }
.Lfunc_end0:
.L_simem_size_0:
called_computation_lowered:
.L_overlay_start_0:
0x88: {  	s2 =	sld [smem:$0x3FD9]  }
0x89: {  	s3 =	sld [smem:$0x3FFE];
	_ =	sdelay $0x1  }
0x8a: {  	s1 =	srdreg.scid  }
0x8b: {  	s0 =	sand.u32 $0x1, s1  }
0x8c: {  	s15 =	sshll.u32 s0, $0xA;
	s2 =	sadd.s32 s3, s2  }
0x8d: {  	s2 =	sadd.s32 s2, s15  }
0x8e: {  	[smem:$0x3FC2] =	sst s2  }
0x8f: {  	_ = 	snop  }
0x90: {  	s2 =	sld [smem:$0x3FD0];
	_ =	sdelay $0x2  }
0x91: {  	s4 =	simm.s32 $0xA;
	s5 =	simm.s32 $0x10;
	s16 =	sld [smem:$0x3FC5]  }
0x92: {  	[smem:s5], [sflag:s4] =	dma.local [hbm:s2], $0x1  }
0x93: {  	_ =	swait.eq [sflag:s4], $0x1  }
0x94: {  	[sflag:s4] =	ssyncset.done $0x0  }
0x95: {  	s17 =	sld [smem:$0x10];
	[sflag:s4] =	ssyncadd.s32 $0xFFFFFFFF  }
0x96: {  	s18 =	sld [smem:$0x11];
	(tm) =	ssettm $0x1  }
0x97: {  	s19 =	sld [smem:$0x3FFB];
	_ =	sdelay $0x3  }
0x98: {  	_ =	strace s19  }
0x99: {  	s5 =	sld [smem:$0x3FFC];
	_ =	sdelay $0x3  }
0x9a: {  	_ =	strace s5  }
0x9b: {  	s5 =	sld [smem:$0x3FFD];
	_ =	sdelay $0x3  }
0x9c: {  	_ =	strace s5  }
0x9d: {  	_ =	strace $0x8FFFFFFF  }
0x9e: {  	s20 =	sld [smem:$0x3FDB];
	_ =	sdelay $0x1  }
0x9f: {  	s6 =	simm.s32 $_scs_section_size  }
0xa0: {  	s7 =	simm.s32 $_size__tile_overlayer_lowered;
	s8 =	simm.s32 $_tile_overlayer_lowered  }
0xa1: {  	s23 =	simm.s32 $0x1BFF;
	s22 =	sshll.u32 s8, $0x1;
	s5 =	sadd.s32 s6, s20  }
0xa2: {  	s9 =	simm.s32 $0x0;
	s21 =	sshll.u32 s7, $0x1;
	s7 =	sadd.s32 s22, s5  }
0xa3: {  	[timem:s9], [sflag:s23] =	dma.local [hbm:s7], s21  }
0xa4: {  	_ =	swait.ge [sflag:s23], s21  }
0xa5: {  	s6 =	ssub.s32 $0x0, s21;
	[sflag:s23] =	ssyncset.done $0x0  }
0xa6: {  	[sflag:s23] =	ssyncadd.s32 s6;
	_ =	sdelay $0x1  }
0xa7: {  	s24 =	simm.s32 $0x1B8B  }
0xa8: {  	_ =	swait.ge [sflag:s24], $0x1  }
0xa9: {  	[sflag:s24] =	ssyncset.done $0x0  }
0xaa: {  	s25 =	simm.s32 $0x1B8E;
	[sflag:s24] =	ssyncadd.s32 $0xFFFFFFFF  }
0xab: {  	s26 =	simm.s32 $execute0_lowered;
	[smem:$0x3FD2] =	sst s25  }
0xac: {  	s6 =	sshll.u32 s26, $0x1;
	_ =	strace $0x80000046;
	[dreg:$0x1] =	wrdreg $0xFFFFFFFF  }
0xad: {  	s28 =	simm.s32 $_size_execute0_lowered;
	s5 =	sadd.s32 s5, s6;
	[dreg:$0x0] =	wrdreg $0x0  }
0xae: {  	s6 =	sshll.u32 s28, $0x1;
	[dreg:$0x2] =	wrdreg s5  }
0xaf: {  	[dreg:$0x3] =	wrdreg s6  }
0xb0: {  	[dreg:$0x4] =	wrdreg $0xC0  }
0xb1: {  	_ =	task [dreg:s9], $0x5FFFF  }
0xb2: {  	[dreg:$0x1] =	wrdreg $0xFFFFFFFF  }
0xb3: {  	[dreg:$0x0] =	wrdreg $0x60  }
0xb4: {  	[dreg:$0x2] =	wrdreg s16  }
0xb5: {  	[dreg:$0x3] =	wrdreg s17  }
0xb6: {  	[dreg:$0x4] =	wrdreg s18  }
0xb7: {  	[dreg:$0x5] =	wrdreg $0x9  }
0xb8: {  	_ =	task.clear_ibuf [dreg:s9], $0x6FFFF;
	_ =	strace $0x90000046  }
0xb9: {  	s29 =	simm.s32 $0x9;
	_ =	strace $0x80000048  }
0xba: {  	_ =	swait.ge [sflag:s29], $0x1  }
0xbb: {  	[sflag:s29] =	ssyncadd.s32 $0xFFFFFFFF  }
0xbc: {  	_ =	strace $0x90000048  }
0xbd: {  	_ =	sfence  }
0xbe: {  	s30 =	sld [smem:$0x0];
	_ =	sdelay $0x2  }
0xbf: {  	s31 =	sshll.u32 s1, $0xD;
	s1 =	sshrl.u32 s1, $0x2  }
0xc0: {  	s3 =	sand.u32 $0x4000, s31;
	s1 =	sadd.s32 s1, s30  }
0xc1: {  	s0 =	sor.u32 s3, s0;
	s1 =	sshll.u32 s1, $0x11  }
0xc2: {  	s0 =	sor.u32 s1, s0  }
0xc3: {  	s0 =	sadd.s32 $0x8F2B, s0  }
0xc4: {  	[sflag:s0] =	ssyncadd.remote.s32 $0x1  }
0xc5: {  	_ =	sfence.sel $0xFFFF  }
0xc6: {  	[dreg:$0x0] =	wrdreg $0xFFFFFFFF;
	(pc) =	sbr.abs _section_cstart, $3  }
0xc7: {  	[dreg:$0x1] =	wrdreg $0xFFFFFFFF  }
0xc8: {  	_ =	task.clear_ibuf [dreg:s9], $0x2FFFF;
	_ =	strace $0x9FFFFFFF  }
0xc9: {  	(tm) =	ssettm $0x7FFFFFFF  }
tec
execute0_lowered:
.L_overlay_start_1:
0x0: {  	(tag) =	ssettag $0x1  }
0x1: {  	s1 =	rddreg [dreg:$0x0]  }
0x2: {  	s2 =	rddreg [dreg:$0x1]  }
0x3: {  	s3 =	rddreg [dreg:$0x2]  }
0x4: {  	s4 =	srdreg.scid;
	s0 =	rddreg [dreg:$0x3];
	s5 =	simm.s32 $0x0  }
0x5: {  	s10 =	simm.s32 $0x1C700;
	s11 =	simm.s32 $0x1D700;
	s12 =	simm.s32 $0x1E700  }
0x6: {  	s13 =	simm.s32 $0x4;
	s14 =	simm.s32 $0x1;
	s15 =	simm.s32 $0x2  }
0x7: {  	s16 =	simm.s32 $0x3;
	s17 =	simm.s32 $0x0;
	s6 =	sand.u32 $0x1, s4  }
0x8: {  	s4 =	stileid.u32;
	[smem:$0x7FF] =	sst s5;
	s7 =	ssub.s32 $0x2, s6  }
0x9: {  	s9 =	sshll.u32 s4, $0x1;
	_ =	strace $0x80000047;
	s8 =	sshrl.u32 s7, $0x1  }
0xa: {  	s6 =	sor.u32 s6, s9;
	s9 =	simm.s32 $0x400;
	s7 =	ssub.s32 s7, s8  }
0xb: {  	s6 =	smul.u32 $0x1A, s6;
	s8 =	simm.s32 $0x80;
	s7 =	smax.u32 s7, $0x1  }
.LBB2_1:
0xc: {  	[tilespmem:s10], [sflag:$0x1] =	stream.strided.gather [hbm4b:s1+s8], $0x1000, s9, s8, $0x38;
	[tilespmem:$0x1F700] =	vst v63  }
0xd: {  	_ = 	snop  }
0xe: {  	[tilespmem:s11], [sflag:$0x2] =	stream.strided.gather [hbm4b:s1+s8], $0x1000, s9, s8, $0x38;
	[tilespmem:$0x1F700] =	vst v63  }
0xf: {  	s19 =	simm.s32 $0xFFFFFFFF;
	s18 =	simm.s32 $0x0  }
0x10: {  	[tilespmem:s12], [sflag:$0x3] =	stream.strided.gather [hbm4b:s1+s8], $0x1000, s9, s8, $0x38;
	[tilespmem:$0x1F700] =	vst v63  }
.LBB2_2:
0x11: {  	s21 =	sadd.s32 s6, s18  }
0x12: {  	s20 =	smov.u32 s19;
	s19 =	sshrl.u32 s21, $0x5  }
0x13: {  	p0 =	seq.s32 s19, s20  }
0x14: {  	s29 =	sshrl.u32 s21, $0x3;
	s20 =	sshll.u32 @!p0 s19, $0xB  }
0x15: {  	s31 =	sshll.u32 s21, $0x7;
	s30 =	smul.u32 $0xC3800, s29;
	s20 =	sand.u32 @!p0 $0x1FFFF800, s20  }
0x16: {  	s22 =	simm.s32 @!p0 $0x0;
	s23 =	simm.s32 @!p0 $0x18700;
	s20 =	sadd.s32 @!p0 s2, s20  }
0x17: {  	[tilespmem:s23], [sflag:$0x4] =	stream.linear.gather @!p0 [hbm4b:s20+s22], $0x4000, $0x38;
	[tilespmem:$0x1F700] =	vst v63  }
0x18: {  	s23 =	simm.s32 @!p0 $0x4;
	s20 =	sand.u32 $0x380, s31  }
0x19: {  	_ =	swait.ge @!p0 [sflag:s23], $0x4000;
	s22 =	sor.u32 s20, s30  }
0x1a: {  	[sflag:s23] =	ssyncset.done @!p0 $0x0;
	s22 =	sshrl.u32 s22, $0x3  }
0x1b: {  	[sflag:s23] =	ssyncadd.s32 @!p0 $0xFFFFC000;
	s22 =	sadd.s32 s1, s22  }
0x1c: {  	[tilespmem:s5], [sflag:$0x4] =	stream.strided.gather [hbm4b:s22+s8], $0x18700, s9, s8, $0x38;
	[tilespmem:$0x1F700] =	vst v63  }
0x1d: {  	_ =	swait.ge [sflag:s13], $0x18700  }
0x1e: {  	[sflag:s13] =	ssyncset.done $0x0  }
0x1f: {  	[sflag:s13] =	ssyncadd.s32 $0xFFFE7900  }
0x20: {  	_ =	swait.ge [sflag:s14], $0x1000  }
0x21: {  	s24 =	simm.s32 $0x1C740;
	[sflag:s14] =	ssyncset.done $0x0  }
0x22: {  	s23 =	simm.s32 $0x18740;
	s22 =	simm.s32 $0xFFFFFFF8;
	[sflag:s14] =	ssyncadd.s32 $0xFFFFF000  }
.LBB2_3:
0x23: {  	v0 =	vld [tilespmem:s23+$0xFFFFFFC0];
	_ =	sdelay $0x7  }
0x24: {  	v0 =	vld.idx.msk [tilespmem:v0+s5+$0x0], $0xffff;
	_ =	sdelay $0x4  }
0x25: {  	[tilespmem:s24+$0xFFFFFFC0] =	vst v0  }
0x26: {  	v0 =	vld [tilespmem:s23+$0xFFFFFFD0];
	_ =	sdelay $0x7  }
0x27: {  	v0 =	vld.idx.msk [tilespmem:v0+s5+$0x0], $0xffff;
	_ =	sdelay $0x4  }
0x28: {  	[tilespmem:s24+$0xFFFFFFD0] =	vst v0  }
0x29: {  	v0 =	vld [tilespmem:s23+$0xFFFFFFE0];
	_ =	sdelay $0x7  }
0x2a: {  	v0 =	vld.idx.msk [tilespmem:v0+s5+$0x0], $0xffff;
	_ =	sdelay $0x4  }
0x2b: {  	[tilespmem:s24+$0xFFFFFFE0] =	vst v0  }
0x2c: {  	v0 =	vld [tilespmem:s23+$0xFFFFFFF0];
	_ =	sdelay $0x7  }
0x2d: {  	v0 =	vld.idx.msk [tilespmem:v0+s5+$0x0], $0xffff;
	_ =	sdelay $0x4  }
0x2e: {  	[tilespmem:s24+$0xFFFFFFF0] =	vst v0  }
0x2f: {  	v0 =	vld [tilespmem:s23+$0x0];
	_ =	sdelay $0x7  }
0x30: {  	v0 =	vld.idx.msk [tilespmem:v0+s5+$0x0], $0xffff;
	_ =	sdelay $0x4  }
0x31: {  	[tilespmem:s24+$0x0] =	vst v0  }
0x32: {  	v0 =	vld [tilespmem:s23+$0x10];
	_ =	sdelay $0x7  }
0x33: {  	v0 =	vld.idx.msk [tilespmem:v0+s5+$0x0], $0xffff;
	_ =	sdelay $0x4  }
0x34: {  	[tilespmem:s24+$0x10] =	vst v0  }
0x35: {  	v0 =	vld [tilespmem:s23+$0x20];
	_ =	sdelay $0x7  }
0x36: {  	v0 =	vld.idx.msk [tilespmem:v0+s5+$0x0], $0xffff;
	_ =	sdelay $0x4  }
0x37: {  	[tilespmem:s24+$0x20] =	vst v0  }
0x38: {  	v0 =	vld [tilespmem:s23+$0x30];
	_ =	sdelay $0x6  }
0x39: {  	s22 =	sadd.s32 $0x8, s22  }
0x3a: {  	p0 =	slt.u32 s22, $0xF8;
	v0 =	vld.idx.msk [tilespmem:v0+s5+$0x0], $0xffff  }
.Ltmp0:
0x3b: {  	_ = 	snop;
	(pc) =	sbr.rel @p0 .LBB2_3-.Ltmp0, $2  }
0x3c: {  	_ =	sdelay $0x2  }
0x3d: {  	s23 =	sadd.s32 $0x80, s23;
	[tilespmem:s24+$0x30] =	vst v0;
	s24 =	sadd.s32 $0x80, s24  }
0x3e: {  	s21 =	sshll.u32 s21, $0xE  }
0x3f: {  	s21 =	sand.u32 $0x7FFE0000, s21  }
0x40: {  	s22 =	sor.u32 s20, s21  }
0x41: {  	s22 =	sadd.s32 $0x680000, s22  }
0x42: {  	s22 =	sshrl.u32 s22, $0x3  }
0x43: {  	s22 =	sadd.s32 s3, s22  }
0x44: {  	[hbm4b:s22+s8] =	stream.strided.scatter [tilespmem:s10], [sflag:$0x1], $0x1000, s9, s8, $0x38;
	[tilespmem:$0x1F700] =	vst v63  }
0x45: {  	_ =	swait.ge [sflag:s15], $0x1000  }
0x46: {  	s23 =	simm.s32 $0x19770;
	[sflag:s15] =	ssyncset.done $0x0  }
0x47: {  	s24 =	simm.s32 $0x1D770;
	s22 =	simm.s32 $0xFFFFFFF8;
	[sflag:s15] =	ssyncadd.s32 $0xFFFFF000  }
.LBB2_5:
0x48: {  	v0 =	vld [tilespmem:s23+$0xFFFFFF90];
	_ =	sdelay $0x7  }
0x49: {  	v0 =	vld.idx.msk [tilespmem:v0+s5+$0x0], $0xffff;
	_ =	sdelay $0x4  }
0x4a: {  	[tilespmem:s24+$0xFFFFFF90] =	vst v0  }
0x4b: {  	v0 =	vld [tilespmem:s23+$0xFFFFFFA0];
	_ =	sdelay $0x7  }
0x4c: {  	v0 =	vld.idx.msk [tilespmem:v0+s5+$0x0], $0xffff;
	_ =	sdelay $0x4  }
0x4d: {  	[tilespmem:s24+$0xFFFFFFA0] =	vst v0  }
0x4e: {  	v0 =	vld [tilespmem:s23+$0xFFFFFFB0];
	_ =	sdelay $0x7  }
0x4f: {  	v0 =	vld.idx.msk [tilespmem:v0+s5+$0x0], $0xffff;
	_ =	sdelay $0x4  }
0x50: {  	[tilespmem:s24+$0xFFFFFFB0] =	vst v0  }
0x51: {  	v0 =	vld [tilespmem:s23+$0xFFFFFFC0];
	_ =	sdelay $0x7  }
0x52: {  	v0 =	vld.idx.msk [tilespmem:v0+s5+$0x0], $0xffff;
	_ =	sdelay $0x4  }
0x53: {  	[tilespmem:s24+$0xFFFFFFC0] =	vst v0  }
0x54: {  	v0 =	vld [tilespmem:s23+$0xFFFFFFD0];
	_ =	sdelay $0x7  }
0x55: {  	v0 =	vld.idx.msk [tilespmem:v0+s5+$0x0], $0xffff;
	_ =	sdelay $0x4  }
0x56: {  	[tilespmem:s24+$0xFFFFFFD0] =	vst v0  }
0x57: {  	v0 =	vld [tilespmem:s23+$0xFFFFFFE0];
	_ =	sdelay $0x7  }
0x58: {  	v0 =	vld.idx.msk [tilespmem:v0+s5+$0x0], $0xffff;
	_ =	sdelay $0x4  }
0x59: {  	[tilespmem:s24+$0xFFFFFFE0] =	vst v0  }
0x5a: {  	v0 =	vld [tilespmem:s23+$0xFFFFFFF0];
	_ =	sdelay $0x7  }
0x5b: {  	v0 =	vld.idx.msk [tilespmem:v0+s5+$0x0], $0xffff;
	_ =	sdelay $0x4  }
0x5c: {  	[tilespmem:s24+$0xFFFFFFF0] =	vst v0  }
0x5d: {  	v0 =	vld [tilespmem:s23+$0x0];
	_ =	sdelay $0x6  }
0x5e: {  	s22 =	sadd.s32 $0x8, s22  }
0x5f: {  	p0 =	slt.u32 s22, $0xF8;
	v0 =	vld.idx.msk [tilespmem:v0+s5+$0x0], $0xffff  }
.Ltmp1:
0x60: {  	_ = 	snop;
	(pc) =	sbr.rel @p0 .LBB2_5-.Ltmp1, $2  }
0x61: {  	_ =	sdelay $0x2  }
0x62: {  	s23 =	sadd.s32 $0x80, s23;
	[tilespmem:s24+$0x0] =	vst v0;
	s24 =	sadd.s32 $0x80, s24  }
0x63: {  	s20 =	sadd.s32 s20, s21  }
0x64: {  	s21 =	sadd.s32 $0x688000, s20  }
0x65: {  	s21 =	sshrl.u32 s21, $0x3  }
0x66: {  	s21 =	sadd.s32 s3, s21  }
0x67: {  	[hbm4b:s21+s8] =	stream.strided.scatter [tilespmem:s11], [sflag:$0x2], $0x1000, s9, s8, $0x38;
	[tilespmem:$0x1F700] =	vst v63  }
0x68: {  	_ =	swait.ge [sflag:s16], $0x1000  }
0x69: {  	s22 =	simm.s32 $0x1A770;
	[sflag:s16] =	ssyncset.done $0x0  }
0x6a: {  	s23 =	simm.s32 $0x1E770;
	s21 =	simm.s32 $0xFFFFFFF8;
	[sflag:s16] =	ssyncadd.s32 $0xFFFFF000  }
.LBB2_7:
0x6b: {  	v0 =	vld [tilespmem:s22+$0xFFFFFF90];
	_ =	sdelay $0x7  }
0x6c: {  	v0 =	vld.idx.msk [tilespmem:v0+s5+$0x0], $0xffff;
	_ =	sdelay $0x4  }
0x6d: {  	[tilespmem:s23+$0xFFFFFF90] =	vst v0  }
0x6e: {  	v0 =	vld [tilespmem:s22+$0xFFFFFFA0];
	_ =	sdelay $0x7  }
0x6f: {  	v0 =	vld.idx.msk [tilespmem:v0+s5+$0x0], $0xffff;
	_ =	sdelay $0x4  }
0x70: {  	[tilespmem:s23+$0xFFFFFFA0] =	vst v0  }
0x71: {  	v0 =	vld [tilespmem:s22+$0xFFFFFFB0];
	_ =	sdelay $0x7  }
0x72: {  	v0 =	vld.idx.msk [tilespmem:v0+s5+$0x0], $0xffff;
	_ =	sdelay $0x4  }
0x73: {  	[tilespmem:s23+$0xFFFFFFB0] =	vst v0  }
0x74: {  	v0 =	vld [tilespmem:s22+$0xFFFFFFC0];
	_ =	sdelay $0x7  }
0x75: {  	v0 =	vld.idx.msk [tilespmem:v0+s5+$0x0], $0xffff;
	_ =	sdelay $0x4  }
0x76: {  	[tilespmem:s23+$0xFFFFFFC0] =	vst v0  }
0x77: {  	v0 =	vld [tilespmem:s22+$0xFFFFFFD0];
	_ =	sdelay $0x7  }
0x78: {  	v0 =	vld.idx.msk [tilespmem:v0+s5+$0x0], $0xffff;
	_ =	sdelay $0x4  }
0x79: {  	[tilespmem:s23+$0xFFFFFFD0] =	vst v0  }
0x7a: {  	v0 =	vld [tilespmem:s22+$0xFFFFFFE0];
	_ =	sdelay $0x7  }
0x7b: {  	v0 =	vld.idx.msk [tilespmem:v0+s5+$0x0], $0xffff;
	_ =	sdelay $0x4  }
0x7c: {  	[tilespmem:s23+$0xFFFFFFE0] =	vst v0  }
0x7d: {  	v0 =	vld [tilespmem:s22+$0xFFFFFFF0];
	_ =	sdelay $0x7  }
0x7e: {  	v0 =	vld.idx.msk [tilespmem:v0+s5+$0x0], $0xffff;
	_ =	sdelay $0x4  }
0x7f: {  	[tilespmem:s23+$0xFFFFFFF0] =	vst v0  }
0x80: {  	v0 =	vld [tilespmem:s22+$0x0];
	_ =	sdelay $0x6  }
0x81: {  	s21 =	sadd.s32 $0x8, s21  }
0x82: {  	p0 =	slt.u32 s21, $0xF8;
	v0 =	vld.idx.msk [tilespmem:v0+s5+$0x0], $0xffff  }
.Ltmp2:
0x83: {  	_ = 	snop;
	(pc) =	sbr.rel @p0 .LBB2_7-.Ltmp2, $2  }
0x84: {  	_ =	sdelay $0x2  }
0x85: {  	s22 =	sadd.s32 $0x80, s22;
	[tilespmem:s23+$0x0] =	vst v0;
	s23 =	sadd.s32 $0x80, s23  }
0x86: {  	s21 =	sadd.s32 $0x690000, s20  }
0x87: {  	s21 =	sshrl.u32 s21, $0x3  }
0x88: {  	s21 =	sadd.s32 s3, s21  }
0x89: {  	[hbm4b:s21+s8] =	stream.strided.scatter [tilespmem:s12], [sflag:$0x3], $0x1000, s9, s8, $0x38;
	[tilespmem:$0x1F700] =	vst v63  }
0x8a: {  	_ =	swait.ge [sflag:s14], $0x1000  }
0x8b: {  	s22 =	simm.s32 $0x1B770;
	[sflag:s14] =	ssyncset.done $0x0  }
0x8c: {  	s23 =	simm.s32 $0x1C740;
	s21 =	simm.s32 $0xFFFFFFF8;
	[sflag:s14] =	ssyncadd.s32 $0xFFFFF000  }
.LBB2_9:
0x8d: {  	v0 =	vld [tilespmem:s22+$0xFFFFFF90];
	_ =	sdelay $0x7  }
0x8e: {  	v0 =	vld.idx.msk [tilespmem:v0+s5+$0x0], $0xffff;
	_ =	sdelay $0x4  }
0x8f: {  	[tilespmem:s23+$0xFFFFFFC0] =	vst v0  }
0x90: {  	v0 =	vld [tilespmem:s22+$0xFFFFFFA0];
	_ =	sdelay $0x7  }
0x91: {  	v0 =	vld.idx.msk [tilespmem:v0+s5+$0x0], $0xffff;
	_ =	sdelay $0x4  }
0x92: {  	[tilespmem:s23+$0xFFFFFFD0] =	vst v0  }
0x93: {  	v0 =	vld [tilespmem:s22+$0xFFFFFFB0];
	_ =	sdelay $0x7  }
0x94: {  	v0 =	vld.idx.msk [tilespmem:v0+s5+$0x0], $0xffff;
	_ =	sdelay $0x4  }
0x95: {  	[tilespmem:s23+$0xFFFFFFE0] =	vst v0  }
0x96: {  	v0 =	vld [tilespmem:s22+$0xFFFFFFC0];
	_ =	sdelay $0x7  }
0x97: {  	v0 =	vld.idx.msk [tilespmem:v0+s5+$0x0], $0xffff;
	_ =	sdelay $0x4  }
0x98: {  	[tilespmem:s23+$0xFFFFFFF0] =	vst v0  }
0x99: {  	v0 =	vld [tilespmem:s22+$0xFFFFFFD0];
	_ =	sdelay $0x7  }
0x9a: {  	v0 =	vld.idx.msk [tilespmem:v0+s5+$0x0], $0xffff;
	_ =	sdelay $0x4  }
0x9b: {  	[tilespmem:s23+$0x0] =	vst v0  }
0x9c: {  	v0 =	vld [tilespmem:s22+$0xFFFFFFE0];
	_ =	sdelay $0x7  }
0x9d: {  	v0 =	vld.idx.msk [tilespmem:v0+s5+$0x0], $0xffff;
	_ =	sdelay $0x4  }
0x9e: {  	[tilespmem:s23+$0x10] =	vst v0  }
0x9f: {  	v0 =	vld [tilespmem:s22+$0xFFFFFFF0];
	_ =	sdelay $0x7  }
0xa0: {  	v0 =	vld.idx.msk [tilespmem:v0+s5+$0x0], $0xffff;
	_ =	sdelay $0x4  }
0xa1: {  	[tilespmem:s23+$0x20] =	vst v0  }
0xa2: {  	v0 =	vld [tilespmem:s22+$0x0];
	_ =	sdelay $0x6  }
0xa3: {  	s21 =	sadd.s32 $0x8, s21  }
0xa4: {  	p0 =	slt.u32 s21, $0xF8;
	v0 =	vld.idx.msk [tilespmem:v0+s5+$0x0], $0xffff  }
.Ltmp3:
0xa5: {  	_ = 	snop;
	(pc) =	sbr.rel @p0 .LBB2_9-.Ltmp3, $2  }
0xa6: {  	_ =	sdelay $0x2  }
0xa7: {  	s22 =	sadd.s32 $0x80, s22;
	[tilespmem:s23+$0x30] =	vst v0;
	s23 =	sadd.s32 $0x80, s23  }
0xa8: {  	s18 =	sadd.s32 $0x1, s18  }
0xa9: {  	p0 =	sne.s32 s18, $0x1A  }
.Ltmp4:
0xaa: {  	_ = 	snop;
	(pc) =	sbr.rel @p0 .LBB2_2-.Ltmp4, $4  }
0xab: {  	s20 =	sadd.s32 $0x698000, s20  }
0xac: {  	s20 =	sshrl.u32 s20, $0x3  }
0xad: {  	s20 =	sadd.s32 s3, s20  }
0xae: {  	[hbm4b:s20+s8] =	stream.strided.scatter [tilespmem:s10], [sflag:$0x1], $0x1000, s9, s8, $0x38;
	[tilespmem:$0x1F700] =	vst v63  }
0xaf: {  	_ =	swait.ge [sflag:s14], $0x1000  }
0xb0: {  	[sflag:s14] =	ssyncset.done $0x0  }
0xb1: {  	s17 =	sadd.s32 $0x1, s17;
	[sflag:s14] =	ssyncadd.s32 $0xFFFFF000  }
0xb2: {  	p0 =	sne.s32 s17, s7;
	_ =	swait.ge [sflag:s15], $0x1000  }
.Ltmp5:
0xb3: {  	[sflag:s15] =	ssyncset.done $0x0;
	(pc) =	sbr.rel @p0 .LBB2_1-.Ltmp5, $4  }
0xb4: {  	[sflag:s15] =	ssyncadd.s32 $0xFFFFF000  }
0xb5: {  	_ =	swait.ge [sflag:s16], $0x1000  }
0xb6: {  	[sflag:s16] =	ssyncset.done $0x0  }
0xb7: {  	[sflag:s16] =	ssyncadd.s32 $0xFFFFF000  }
0xb8: {  	_ =	sfence.sel $0x180000  }
0xb9: {  	[bflag:$0x0] =	sbarrier.arrive $0xFFFF  }
0xba: {  	p0 =	sne.s32 s4, $0x0;
	_ =	strace $0x90000047  }
0xbb: {  	s0 =	sadd.s32 @!p0 $0x100000, s0;
	[bflag:$0x2] =	sbarrier.arrive $0xFFFF  }
0xbc: {  	[sflag:s0] =	ssyncadd.tile.s32 @!p0 $0x1;
	_ =	shalt  }
.Lfunc_end2:
_tile_overlayer_lowered:
.L_overlay_start_2:
0xbd: {  	(tag) =	ssettag $0x2  }
0xbe: {  	s0 =	rddreg [dreg:$0x0];
	s2 =	stileid.u32  }
0xbf: {  	s1 =	rddreg [dreg:$0x1];
	p0 =	sne.s32 s2, $0x0  }
0xc0: {  	s3 =	rddreg [dreg:$0x2];
	[bflag:$0x3] =	sbarrier.arrive $0xFFFF;
	s2 =	simm.s32 @!p0 $0x1C04  }
0xc1: {  	[timem:s3], [sflag:s2] =	dma.local @!p0 [hbm:s0], s1  }
0xc2: {  	s0 =	simm.s32 @!p0 $0x4  }
0xc3: {  	_ =	swait.ge @!p0 [sflag:s0], s1  }
0xc4: {  	s1 =	ssub.s32 @!p0 $0x0, s1;
	[sflag:s0] =	ssyncset.done @!p0 $0x0  }
0xc5: {  	[sflag:s0] =	ssyncadd.s32 @!p0 s1  }
0xc6: {  	[bflag:$0x3] =	sbarrier.arrive $0xFFFF  }
0xc7: {  	_ =	shalt  }

</sc_bundles>
